<compile_context>
chip_gen: v7x
topology: tpu7x:2x2x1
jax: 0.10.2.dev20260603
libtpu: 0.0.44.dev20260713+nightly
codegen_flags: <defaults>
</compile_context>

<pallas_src>
import functools

import jax
import jax.numpy as jnp
from jax import lax
from jax.experimental import pallas as pl
from jax.experimental.pallas import tpu as pltpu, tpu_sc as plsc

B, N = 128, 64
ATOM_DIM, HYBRID_DIM, CONT_DIM, CONT_IN = 32, 16, 16, 16
NODE_DIM, EDGE_DIM, MESS_DIM, TIME_DIM = 64, 32, 64, 64
ATOM_VOCAB, HYBRID_VOCAB, BOND_VOCAB = 100, 8, 8

IB = 1

_LOG1E4 = 9.210340371976184


def _sc_embed_lookup(atom_table, atom_idx):
    info = plsc.get_sparse_core_info()
    nw = info.num_cores * info.num_subcores
    rows_per_w = (B * N) // nw
    mesh = plsc.VectorSubcoreMesh(core_axis_name="c", subcore_axis_name="s")

    @functools.partial(
        pl.kernel, mesh=mesh,
        out_type=jax.ShapeDtypeStruct((B * N, 128), jnp.float32),
        scratch_types=[
            pltpu.VMEM((rows_per_w,), jnp.int32),
            pltpu.VMEM((rows_per_w, 128), jnp.float32),
            pltpu.SemaphoreType.DMA,
        ],
    )
    def k(atab_hbm, aidx_hbm, aout_hbm, aidx_v, arows_v, asem):
        wid = lax.axis_index("s") * info.num_cores + lax.axis_index("c")
        base = wid * rows_per_w
        pltpu.sync_copy(aidx_hbm.at[pl.ds(base, rows_per_w)], aidx_v)
        pltpu.async_copy(atab_hbm.at[aidx_v], arows_v, asem).wait()
        pltpu.sync_copy(arows_v, aout_hbm.at[pl.ds(base, rows_per_w)])

    return k(atom_table, atom_idx)


def _prologue_kernel(
    times_ref, cont_ref, aemb_ref, hy_ref, hyb_tab_ref, bond_tab_ref,
    W_t1_ref, b_t1_ref, W_tn_ref, b_tn_ref, W_te_ref, b_te_ref,
    W_cont_ref, b_cont_ref, W_node_ref, b_node_ref,
    W_edge_ref, b_edge_ref, W_msg_ref, b_msg_ref, W_eupd_ref, b_eupd_ref,
    nodes_out, a_out, c_out, a2_out, c2_out, tab_out, te_out,
):
    f32 = jnp.float32
    half = TIME_DIM // 2
    k = jax.lax.broadcasted_iota(jnp.int32, (1, half), 1).astype(f32)
    freqs = jnp.exp(-_LOG1E4 * k / half)
    args = times_ref[...] * freqs
    t = jnp.concatenate([jnp.sin(args), jnp.cos(args)], axis=1)
    h = jax.nn.gelu(
        jnp.dot(t, W_t1_ref[...], preferred_element_type=f32) + b_t1_ref[...])
    t_nodes = jnp.dot(h, W_tn_ref[...], preferred_element_type=f32) + b_tn_ref[...]
    t_edges = jnp.dot(h, W_te_ref[...], preferred_element_type=f32) + b_te_ref[...]
    te_out[...] = t_edges

    cont_h = jax.nn.gelu(
        jnp.dot(cont_ref[...], W_cont_ref[...], preferred_element_type=f32)
        + b_cont_ref[...])
    oh_h = (hy_ref[...] == jax.lax.broadcasted_iota(
        jnp.int32, (B * N, HYBRID_VOCAB), 1)).astype(f32)
    hemb = jnp.dot(oh_h, hyb_tab_ref[...], preferred_element_type=f32)
    nfeat = jnp.concatenate(
        [aemb_ref[...][:, :ATOM_DIM], hemb, cont_h], axis=1)
    nodes0 = jax.nn.gelu(
        jnp.dot(nfeat, W_node_ref[...], preferred_element_type=f32)
        + b_node_ref[...])
    nodes = (nodes0.reshape(B, N, NODE_DIM) + t_nodes[:, None, :]
             ).reshape(B * N, NODE_DIM)
    nodes_out[...] = nodes

    e_table = jax.nn.gelu(
        jnp.dot(bond_tab_ref[...], W_edge_ref[...], preferred_element_type=f32)
        + b_edge_ref[...])
    W_msg = W_msg_ref[...]
    Wm_i, Wm_j, Wm_e = W_msg[:64], W_msg[64:128], W_msg[128:160]
    W_eu = W_eupd_ref[...]
    Wu_i, Wu_j, Wu_e = W_eu[:64], W_eu[64:128], W_eu[128:160]
    em_table = jnp.dot(e_table, Wm_e, preferred_element_type=f32)
    eu_table = jnp.dot(e_table, Wu_e, preferred_element_type=f32)
    tab_out[...] = jnp.concatenate([em_table, eu_table, e_table], axis=1)

    te_m = jnp.dot(t_edges, Wm_e, preferred_element_type=f32) + b_msg_ref[...]
    te_u = jnp.dot(t_edges, Wu_e, preferred_element_type=f32) + b_eupd_ref[...]
    a = (jnp.dot(nodes, Wm_i, preferred_element_type=f32).reshape(B, N, MESS_DIM)
         + te_m[:, None, :]).reshape(B * N, MESS_DIM)
    a2 = (jnp.dot(nodes, Wu_i, preferred_element_type=f32).reshape(B, N, EDGE_DIM)
          + te_u[:, None, :]).reshape(B * N, EDGE_DIM)
    a_out[...] = a
    c_out[...] = jnp.dot(nodes, Wm_j, preferred_element_type=f32)
    a2_out[...] = a2
    c2_out[...] = jnp.dot(nodes, Wu_j, preferred_element_type=f32)


def _pairs_kernel(
    eT_ref, pmT_ref, act_ref, cct_ref, tabT_ref, teT_ref,
    aggT_out, neT_out,
):
    f32 = jnp.float32
    e2 = eT_ref[...][0]
    tabT = tabT_ref[...]
    oh3 = (e2[None, :, :] == jax.lax.broadcasted_iota(
        jnp.int32, (BOND_VOCAB, N, B), 0)).astype(f32)
    gathT = jnp.stack(
        [jnp.dot(tabT, oh3[:, j, :], preferred_element_type=f32)
         for j in range(N)], axis=0)[None]
    X = act_ref[...][:, None, :, :] + cct_ref[...][None, :, :, :] + gathT
    G = jax.nn.gelu(X[:, :, :96, :])
    pm4 = pmT_ref[...][:, :, None, :]
    msgT = G[:, :, :MESS_DIM, :] * pm4
    aggT_out[...] = jnp.sum(msgT, axis=1)
    neT_out[...] = (G[:, :, MESS_DIM:, :]
                    + teT_ref[...][None, None, :, :]
                    + X[:, :, 96:, :]) * pm4


def _node_upd_kernel(nodes_ref, agg_ref, nm_ref, W_ref, b_ref, out_ref):
    f32 = jnp.float32
    x = jnp.concatenate([nodes_ref[...], agg_ref[...]], axis=1)
    nn = jax.nn.gelu(
        jnp.dot(x, W_ref[...], preferred_element_type=f32) + b_ref[...])
    out_ref[...] = nn * nm_ref[...]


def kernel(atom_type, hybrid, cont, edges, node_mask, pair_mask, times,
           atom_table, hybrid_table, bond_table,
           W_t1, b_t1, W_tn, b_tn, W_te, b_te, W_cont, b_cont,
           W_node, b_node, W_edge, b_edge, W_msg, b_msg,
           W_upd, b_upd, W_eupd, b_eupd):
    f32 = jnp.float32
    r2 = lambda v: v.reshape(1, -1)

    atab_p = jnp.pad(atom_table, ((0, 0), (0, 128 - ATOM_DIM)))
    aemb = _sc_embed_lookup(atab_p, atom_type.reshape(B * N))

    nodes, a, c, a2, c2, tab, t_edges = pl.pallas_call(
        _prologue_kernel,
        out_shape=(
            jax.ShapeDtypeStruct((B * N, NODE_DIM), f32),
            jax.ShapeDtypeStruct((B * N, MESS_DIM), f32),
            jax.ShapeDtypeStruct((B * N, MESS_DIM), f32),
            jax.ShapeDtypeStruct((B * N, EDGE_DIM), f32),
            jax.ShapeDtypeStruct((B * N, EDGE_DIM), f32),
            jax.ShapeDtypeStruct((BOND_VOCAB, 128), f32),
            jax.ShapeDtypeStruct((B, EDGE_DIM), f32),
        ),
    )(
        times.reshape(B, 1), cont.reshape(B * N, CONT_IN),
        aemb, hybrid.reshape(B * N, 1), hybrid_table, bond_table,
        W_t1, r2(b_t1), W_tn, r2(b_tn), W_te, r2(b_te),
        W_cont, r2(b_cont), W_node, r2(b_node),
        W_edge, r2(b_edge), W_msg, r2(b_msg), W_eupd, r2(b_eupd),
    )

    z32 = jnp.zeros((B * N, 32), f32)
    ACT = (jnp.concatenate([a, a2, z32], axis=1)
           .reshape(B, N, 128).transpose(1, 2, 0))
    CCT = (jnp.concatenate([c, c2, z32], axis=1)
           .reshape(B, N, 128).transpose(1, 2, 0))
    eT = edges.transpose(1, 2, 0)
    pmT = pair_mask.transpose(1, 2, 0)
    tabT = tab.T
    teT = t_edges.T

    grid = (N // IB,)
    bspec = lambda *blk: pl.BlockSpec(blk, lambda i: (i,) + (0,) * (len(blk) - 1))
    full = lambda *shp: pl.BlockSpec(shp, lambda i: (0,) * len(shp))

    aggT, neT = pl.pallas_call(
        _pairs_kernel,
        grid=grid,
        in_specs=[
            bspec(IB, N, B),
            bspec(IB, N, B),
            bspec(IB, 128, B),
            full(N, 128, B),
            full(128, BOND_VOCAB),
            full(EDGE_DIM, B),
        ],
        out_specs=(
            bspec(IB, MESS_DIM, B),
            bspec(IB, N, EDGE_DIM, B),
        ),
        out_shape=(
            jax.ShapeDtypeStruct((N, MESS_DIM, B), f32),
            jax.ShapeDtypeStruct((N, N, EDGE_DIM, B), f32),
        ),
    )(eT, pmT, ACT, CCT, tabT, teT)

    agg = aggT.transpose(2, 0, 1).reshape(B * N, MESS_DIM)
    nn = pl.pallas_call(
        _node_upd_kernel,
        out_shape=jax.ShapeDtypeStruct((B * N, NODE_DIM), f32),
    )(nodes, agg, node_mask.reshape(B * N, 1), W_upd, r2(b_upd))

    new_nodes = nn.reshape(B, N, NODE_DIM)
    new_edges = neT.transpose(3, 0, 1, 2)
    return new_nodes, new_edges

# --- scband reference (transcript-rebuilt; emitter-appended) ---
"""Pipeline reference for scband-mpnnbackbone-29197187678546 (READ-ONLY COPY).

The authoritative reference and input builder live on the scoring server;
editing this copy changes nothing except your own understanding.
"""

import jax, jax.numpy as jnp
import numpy as np

B, N = 128, 64
ATOM_DIM, HYBRID_DIM, CONT_DIM, CONT_IN = 32, 16, 16, 16
NODE_DIM, EDGE_DIM, MESS_DIM, TIME_DIM = 64, 32, 64, 64
ATOM_VOCAB, HYBRID_VOCAB, BOND_VOCAB = 100, 8, 8


def _gelu(x):
    return jax.nn.gelu(x)


def _sinusoidal(times, dim):
    half = dim // 2
    freqs = jnp.exp(-np.log(10000.0) * jnp.arange(half, dtype=jnp.float32) / half)
    args = times[..., None] * freqs
    return jnp.concatenate([jnp.sin(args), jnp.cos(args)], axis=-1)


def _dense_init(key, fan_in, fan_out):
    return jax.random.normal(key, (fan_in, fan_out), dtype=jnp.float32) / np.sqrt(fan_in)


def setup_inputs(seed: int = 0):
    key = jax.random.key(seed)
    ks = jax.random.split(key, 20)
    inp = {}
    inp['atom_type'] = jax.random.randint(ks[0], (B, N), 0, ATOM_VOCAB, dtype=jnp.int32)
    inp['hybrid'] = jax.random.randint(ks[1], (B, N), 0, HYBRID_VOCAB, dtype=jnp.int32)
    inp['cont'] = jax.random.normal(ks[2], (B, N, CONT_IN), dtype=jnp.float32)
    inp['edges'] = jax.random.randint(ks[3], (B, N, N), 0, BOND_VOCAB, dtype=jnp.int32)
    inp['node_mask'] = jnp.ones((B, N), dtype=jnp.float32)
    inp['pair_mask'] = jnp.ones((B, N, N), dtype=jnp.float32)
    inp['times'] = jax.random.uniform(ks[4], (B,), dtype=jnp.float32)
    inp['atom_table'] = jax.random.normal(ks[5], (ATOM_VOCAB, ATOM_DIM), dtype=jnp.float32) * 0.02
    inp['hybrid_table'] = jax.random.normal(ks[6], (HYBRID_VOCAB, HYBRID_DIM), dtype=jnp.float32) * 0.02
    inp['bond_table'] = jax.random.normal(ks[7], (BOND_VOCAB, EDGE_DIM), dtype=jnp.float32) * 0.02
    inp['W_t1'] = _dense_init(ks[8], TIME_DIM, TIME_DIM)
    inp['b_t1'] = jnp.zeros((TIME_DIM,), dtype=jnp.float32)
    inp['W_tn'] = _dense_init(ks[9], TIME_DIM, NODE_DIM)
    inp['b_tn'] = jnp.zeros((NODE_DIM,), dtype=jnp.float32)
    inp['W_te'] = _dense_init(ks[10], TIME_DIM, EDGE_DIM)
    inp['b_te'] = jnp.zeros((EDGE_DIM,), dtype=jnp.float32)
    inp['W_cont'] = _dense_init(ks[11], CONT_IN, CONT_DIM)
    inp['b_cont'] = jnp.zeros((CONT_DIM,), dtype=jnp.float32)
    inp['W_node'] = _dense_init(ks[12], ATOM_DIM + HYBRID_DIM + CONT_DIM, NODE_DIM)
    inp['b_node'] = jnp.zeros((NODE_DIM,), dtype=jnp.float32)
    inp['W_edge'] = _dense_init(ks[13], EDGE_DIM, EDGE_DIM)
    inp['b_edge'] = jnp.zeros((EDGE_DIM,), dtype=jnp.float32)
    inp['W_msg'] = _dense_init(ks[14], 2 * NODE_DIM + EDGE_DIM, MESS_DIM)
    inp['b_msg'] = jnp.zeros((MESS_DIM,), dtype=jnp.float32)
    inp['W_upd'] = _dense_init(ks[15], NODE_DIM + MESS_DIM, NODE_DIM)
    inp['b_upd'] = jnp.zeros((NODE_DIM,), dtype=jnp.float32)
    inp['W_eupd'] = _dense_init(ks[16], 2 * NODE_DIM + EDGE_DIM, EDGE_DIM)
    inp['b_eupd'] = jnp.zeros((EDGE_DIM,), dtype=jnp.float32)
    return inp


def reference(atom_type, hybrid, cont, edges, node_mask, pair_mask, times, atom_table, hybrid_table, bond_table, W_t1, b_t1, W_tn, b_tn, W_te, b_te, W_cont, b_cont, W_node, b_node, W_edge, b_edge, W_msg, b_msg, W_upd, b_upd, W_eupd, b_eupd):
    # TimeEmbedding: sinusoidal -> MLP -> per-graph node/edge time vectors
    t = _sinusoidal(times, TIME_DIM)
    h = _gelu(t @ W_t1 + b_t1)
    t_nodes = h @ W_tn + b_tn
    t_edges = h @ W_te + b_te
    # NodeEmbedder: atom/hybrid embedding lookups + continuous-feature dense, fused
    cont_h = _gelu(cont @ W_cont + b_cont)
    nfeat = jnp.concatenate([jnp.take(atom_table, atom_type, axis=0), jnp.take(hybrid_table, hybrid, axis=0), cont_h], axis=-1)
    nodes = _gelu(nfeat @ W_node + b_node)
    nodes = t_nodes[:, None, :] + nodes
    # EdgeEmbedder: bond-type embedding lookup + dense
    e = _gelu(jnp.take(bond_table, edges, axis=0) @ W_edge + b_edge)
    edges_h = t_edges[:, None, None, :] + e
    # MessagePassingLayer over dense pairwise graph
    ni = jnp.broadcast_to(nodes[:, :, None, :], (B, N, N, NODE_DIM))
    nj = jnp.broadcast_to(nodes[:, None, :, :], (B, N, N, NODE_DIM))
    mfeat = jnp.concatenate([ni, nj, edges_h], axis=-1)
    msg = _gelu(mfeat @ W_msg + b_msg) * pair_mask[..., None]
    agg = jnp.sum(msg, axis=2)
    new_nodes = _gelu(jnp.concatenate([nodes, agg], axis=-1) @ W_upd + b_upd) * node_mask[..., None]
    new_edges = (edges_h + _gelu(mfeat @ W_eupd + b_eupd)) * pair_mask[..., None]
    return (new_nodes, new_edges)

if __name__ == "__main__":
    import jax
    _d = setup_inputs()
    print(jax.jit(kernel)(*tuple(_d.values())))

</pallas_src>

<mosaic_0001>
#map = affine_map<(d0, d1) -> (0, 0)>
#map1 = affine_map<(d0, d1) -> (0)>
module attributes {stable_mosaic.version = 14 : i64} {
  func.func @k(%arg0: i32, %arg1: i32, %arg2: memref<100x128xf32, #tpu.memory_space<hbm>>, %arg3: memref<8192xi32, #tpu.memory_space<hbm>>, %arg4: memref<8192x128xf32, #tpu.memory_space<hbm>>, %arg5: memref<256xi32, #tpu.memory_space<vmem>>, %arg6: memref<256x128xf32, #tpu.memory_space<vmem>>, %arg7: memref<!tpu.dma_semaphore, #tpu.memory_space<semaphore_mem>>) attributes {dimension_semantics = [#tpu.dimension_semantics<core_parallel>, #tpu.dimension_semantics<subcore_parallel>], iteration_bounds = array<i64: 2, 16>, scalar_prefetch = 0 : i64, scratch_operands = 3 : i64, tpu.core_type = #tpu.core_type<sc_vector_subcore>, window_params = [{transform_indices = #map}, {transform_indices = #map1}, {transform_indices = #map}]} {
    %mul3A = arith.constant 2 : i32
    %mul3A_0 = arith.muli %arg1, %mul3A : i32
    %add3A = arith.addi %mul3A_0, %arg0 : i32
    %mul3A_1 = arith.constant 256 : i32
    %mul3A_2 = arith.muli %add3A, %mul3A_1 : i32
    "tpu.region"() ({
      %run_scoped3A = tpu.sem_alloc : memref<!tpu.dma_semaphore, #tpu.memory_space<semaphore_mem>>
      %dma_start3A_7 = tpu.memref_slice %arg3[%mul3A_2] : memref<8192xi32, #tpu.memory_space<hbm>> -> memref<256xi32, #tpu.memory_space<hbm>>
      %dma_start3A_8 = tpu.memref_slice %arg3[%mul3A_2] : memref<8192xi32, #tpu.memory_space<hbm>> -> memref<256xi32, #tpu.memory_space<hbm>>
      tpu.enqueue_dma source(%dma_start3A_8 : memref<256xi32, #tpu.memory_space<hbm>>) target(%arg5 : memref<256xi32, #tpu.memory_space<vmem>>) target_semaphore(%run_scoped3A : memref<!tpu.dma_semaphore, #tpu.memory_space<semaphore_mem>>)
      %dma_wait3A_9 = tpu.memref_slice %arg3[%mul3A_2] : memref<8192xi32, #tpu.memory_space<hbm>> -> memref<256xi32, #tpu.memory_space<hbm>>
      %dma_wait3A_10 = tpu.memref_slice %arg3[%mul3A_2] : memref<8192xi32, #tpu.memory_space<hbm>> -> memref<256xi32, #tpu.memory_space<hbm>>
      tpu.wait_dma2 semaphore(%run_scoped3A : memref<!tpu.dma_semaphore, #tpu.memory_space<semaphore_mem>>) src(%dma_wait3A_10 : memref<256xi32, #tpu.memory_space<hbm>>) dst(%arg5 : memref<256xi32, #tpu.memory_space<vmem>>)
      tpu.yield
    }) : () -> ()
    %dma_start3A = arith.constant 0 : i32
    %dma_start3A_3 = arith.constant 0 : i32
    %dma_start3A_4 = tpu.memref_slice %arg2[%dma_start3A, %dma_start3A_3] : memref<100x128xf32, #tpu.memory_space<hbm>> -> memref<100x128xf32, #tpu.memory_space<hbm>>
    tpu.enqueue_indirect_dma source(%dma_start3A_4 : memref<100x128xf32, #tpu.memory_space<hbm>>) target(%arg6 : memref<256x128xf32, #tpu.memory_space<vmem>>) offsets(%arg5 : memref<256xi32, #tpu.memory_space<vmem>>) semaphore(%arg7 : memref<!tpu.dma_semaphore, #tpu.memory_space<semaphore_mem>>)
    %dma_wait3A = arith.constant 0 : i32
    %dma_wait3A_5 = arith.constant 0 : i32
    %dma_wait3A_6 = tpu.memref_slice %arg2[%dma_wait3A, %dma_wait3A_5] : memref<100x128xf32, #tpu.memory_space<hbm>> -> memref<100x128xf32, #tpu.memory_space<hbm>>
    tpu.wait_indirect_dma semaphore(%arg7 : memref<!tpu.dma_semaphore, #tpu.memory_space<semaphore_mem>>) src(%dma_wait3A_6 : memref<100x128xf32, #tpu.memory_space<hbm>>) dst(%arg6 : memref<256x128xf32, #tpu.memory_space<vmem>>)
    "tpu.region"() ({
      %run_scoped3A = tpu.sem_alloc : memref<!tpu.dma_semaphore, #tpu.memory_space<semaphore_mem>>
      %dma_start3A_7 = arith.constant 0 : i32
      %dma_start3A_8 = tpu.memref_slice %arg4[%mul3A_2, %dma_start3A_7] : memref<8192x128xf32, #tpu.memory_space<hbm>> -> memref<256x128xf32, #tpu.memory_space<hbm>>
      %dma_start3A_9 = arith.constant 0 : i32
      %dma_start3A_10 = tpu.memref_slice %arg4[%mul3A_2, %dma_start3A_9] : memref<8192x128xf32, #tpu.memory_space<hbm>> -> memref<256x128xf32, #tpu.memory_space<hbm>>
      tpu.enqueue_dma source(%arg6 : memref<256x128xf32, #tpu.memory_space<vmem>>) target(%dma_start3A_10 : memref<256x128xf32, #tpu.memory_space<hbm>>) target_semaphore(%run_scoped3A : memref<!tpu.dma_semaphore, #tpu.memory_space<semaphore_mem>>)
      %dma_wait3A_11 = arith.constant 0 : i32
      %dma_wait3A_12 = tpu.memref_slice %arg4[%mul3A_2, %dma_wait3A_11] : memref<8192x128xf32, #tpu.memory_space<hbm>> -> memref<256x128xf32, #tpu.memory_space<hbm>>
      %dma_wait3A_13 = arith.constant 0 : i32
      %dma_wait3A_14 = tpu.memref_slice %arg4[%mul3A_2, %dma_wait3A_13] : memref<8192x128xf32, #tpu.memory_space<hbm>> -> memref<256x128xf32, #tpu.memory_space<hbm>>
      tpu.wait_dma2 semaphore(%run_scoped3A : memref<!tpu.dma_semaphore, #tpu.memory_space<semaphore_mem>>) src(%arg6 : memref<256x128xf32, #tpu.memory_space<vmem>>) dst(%dma_wait3A_14 : memref<256x128xf32, #tpu.memory_space<hbm>>)
      tpu.yield
    }) : () -> ()
    return
  }
}

module attributes {stable_mosaic.version = 14 : i64} {
  func.func @_prologue_kernel(%arg0: memref<128x1xf32, #tpu.memory_space<vmem>>, %arg1: memref<8192x16xf32, #tpu.memory_space<vmem>>, %arg2: memref<8192x128xf32, #tpu.memory_space<vmem>>, %arg3: memref<8192x1xi32, #tpu.memory_space<vmem>>, %arg4: memref<8x16xf32, #tpu.memory_space<vmem>>, %arg5: memref<8x32xf32, #tpu.memory_space<vmem>>, %arg6: memref<64x64xf32, #tpu.memory_space<vmem>>, %arg7: memref<1x64xf32, #tpu.memory_space<vmem>>, %arg8: memref<64x64xf32, #tpu.memory_space<vmem>>, %arg9: memref<1x64xf32, #tpu.memory_space<vmem>>, %arg10: memref<64x32xf32, #tpu.memory_space<vmem>>, %arg11: memref<1x32xf32, #tpu.memory_space<vmem>>, %arg12: memref<16x16xf32, #tpu.memory_space<vmem>>, %arg13: memref<1x16xf32, #tpu.memory_space<vmem>>, %arg14: memref<64x64xf32, #tpu.memory_space<vmem>>, %arg15: memref<1x64xf32, #tpu.memory_space<vmem>>, %arg16: memref<32x32xf32, #tpu.memory_space<vmem>>, %arg17: memref<1x32xf32, #tpu.memory_space<vmem>>, %arg18: memref<160x64xf32, #tpu.memory_space<vmem>>, %arg19: memref<1x64xf32, #tpu.memory_space<vmem>>, %arg20: memref<160x32xf32, #tpu.memory_space<vmem>>, %arg21: memref<1x32xf32, #tpu.memory_space<vmem>>, %arg22: memref<8192x64xf32, #tpu.memory_space<vmem>>, %arg23: memref<8192x64xf32, #tpu.memory_space<vmem>>, %arg24: memref<8192x64xf32, #tpu.memory_space<vmem>>, %arg25: memref<8192x32xf32, #tpu.memory_space<vmem>>, %arg26: memref<8192x32xf32, #tpu.memory_space<vmem>>, %arg27: memref<8x128xf32, #tpu.memory_space<vmem>>, %arg28: memref<128x32xf32, #tpu.memory_space<vmem>>) attributes {dimension_semantics = [], scalar_prefetch = 0 : i64, scratch_operands = 0 : i64, tpu.core_type = #tpu.core_type<tc>} {
    %iota3A = tpu.iota {dimensions = array<i32: 1>} : vector<1x32xi32>
    %convert_element_type3A = arith.sitofp %iota3A : vector<1x32xi32> to vector<1x32xf32>
    %mul3A = arith.constant -9.21034049 : f32
    %mul3A_0 = vector.broadcast %mul3A : f32 to vector<1x32xf32>
    %mul3A_1 = arith.mulf %mul3A_0, %convert_element_type3A : vector<1x32xf32>
    %div3A = arith.constant 3.200000e+01 : f32
    %div3A_2 = vector.broadcast %div3A : f32 to vector<1x32xf32>
    %div3A_3 = arith.divf %mul3A_1, %div3A_2 : vector<1x32xf32>
    %exp3A = math.exp %div3A_3 : vector<1x32xf32>
    %get3A = arith.constant 0 : index
    %get3A_4 = arith.constant 0 : index
    %get3A_5 = vector.load %arg0[%get3A, %get3A_4] : memref<128x1xf32, #tpu.memory_space<vmem>>, vector<128x1xf32>
    %mul3A_6 = vector.broadcast %get3A_5 : vector<128x1xf32> to vector<128x32xf32>
    %mul3A_7 = vector.broadcast %exp3A : vector<1x32xf32> to vector<128x32xf32>
    %mul3A_8 = arith.mulf %mul3A_6, %mul3A_7 : vector<128x32xf32>
    %sin3A = math.sin %mul3A_8 : vector<128x32xf32>
    %cos3A = math.cos %mul3A_8 : vector<128x32xf32>
    %concatenate3A = tpu.concatenate %sin3A, %cos3A in 1 : vector<128x32xf32>, vector<128x32xf32> -> vector<128x64xf32>
    %get3A_9 = arith.constant 0 : index
    %get3A_10 = arith.constant 0 : index
    %get3A_11 = vector.load %arg6[%get3A_9, %get3A_10] : memref<64x64xf32, #tpu.memory_space<vmem>>, vector<64x64xf32>
    %dot_general3A = arith.constant dense<0.000000e+00> : vector<128x64xf32>
    %dot_general3A_12 = tpu.matmul %concatenate3A, %get3A_11, %dot_general3A {dimension_numbers = #tpu.dot_dimension_numbers<[1], [0], [0], [1], [0, 0, 1, 1], [], []>, transpose_lhs_hint = false} : vector<128x64xf32>, vector<64x64xf32>, vector<128x64xf32> -> vector<128x64xf32>
    %get3A_13 = arith.constant 0 : index
    %get3A_14 = arith.constant 0 : index
    %get3A_15 = vector.load %arg7[%get3A_13, %get3A_14] : memref<1x64xf32, #tpu.memory_space<vmem>>, vector<1x64xf32>
    %add3A = vector.broadcast %get3A_15 : vector<1x64xf32> to vector<128x64xf32>
    %add3A_16 = arith.addf %dot_general3A_12, %add3A : vector<128x64xf32>
    %integer_pow3A = arith.mulf %add3A_16, %add3A_16 : vector<128x64xf32>
    %integer_pow3A_17 = arith.mulf %add3A_16, %integer_pow3A : vector<128x64xf32>
    %mul3A_18 = arith.constant 4.471500e-02 : f32
    %mul3A_19 = vector.broadcast %mul3A_18 : f32 to vector<128x64xf32>
    %mul3A_20 = arith.mulf %mul3A_19, %integer_pow3A_17 : vector<128x64xf32>
    %add3A_21 = arith.addf %add3A_16, %mul3A_20 : vector<128x64xf32>
    %mul3A_22 = arith.constant 0.797884583 : f32
    %mul3A_23 = vector.broadcast %mul3A_22 : f32 to vector<128x64xf32>
    %mul3A_24 = arith.mulf %mul3A_23, %add3A_21 : vector<128x64xf32>
    %tanh3A = math.tanh %mul3A_24 : vector<128x64xf32>
    %add3A_25 = arith.constant 1.000000e+00 : f32
    %add3A_26 = vector.broadcast %add3A_25 : f32 to vector<128x64xf32>
    %add3A_27 = arith.addf %add3A_26, %tanh3A : vector<128x64xf32>
    %mul3A_28 = arith.constant 5.000000e-01 : f32
    %mul3A_29 = vector.broadcast %mul3A_28 : f32 to vector<128x64xf32>
    %mul3A_30 = arith.mulf %mul3A_29, %add3A_27 : vector<128x64xf32>
    %mul3A_31 = arith.mulf %add3A_16, %mul3A_30 : vector<128x64xf32>
    %get3A_32 = arith.constant 0 : index
    %get3A_33 = arith.constant 0 : index
    %get3A_34 = vector.load %arg8[%get3A_32, %get3A_33] : memref<64x64xf32, #tpu.memory_space<vmem>>, vector<64x64xf32>
    %dot_general3A_35 = arith.constant dense<0.000000e+00> : vector<128x64xf32>
    %dot_general3A_36 = tpu.matmul %mul3A_31, %get3A_34, %dot_general3A_35 {dimension_numbers = #tpu.dot_dimension_numbers<[1], [0], [0], [1], [0, 0, 1, 1], [], []>, transpose_lhs_hint = false} : vector<128x64xf32>, vector<64x64xf32>, vector<128x64xf32> -> vector<128x64xf32>
    %get3A_37 = arith.constant 0 : index
    %get3A_38 = arith.constant 0 : index
    %get3A_39 = vector.load %arg9[%get3A_37, %get3A_38] : memref<1x64xf32, #tpu.memory_space<vmem>>, vector<1x64xf32>
    %add3A_40 = vector.broadcast %get3A_39 : vector<1x64xf32> to vector<128x64xf32>
    %add3A_41 = arith.addf %dot_general3A_36, %add3A_40 : vector<128x64xf32>
    %get3A_42 = arith.constant 0 : index
    %get3A_43 = arith.constant 0 : index
    %get3A_44 = vector.load %arg10[%get3A_42, %get3A_43] : memref<64x32xf32, #tpu.memory_space<vmem>>, vector<64x32xf32>
    %dot_general3A_45 = arith.constant dense<0.000000e+00> : vector<128x32xf32>
    %dot_general3A_46 = tpu.matmul %mul3A_31, %get3A_44, %dot_general3A_45 {dimension_numbers = #tpu.dot_dimension_numbers<[1], [0], [0], [1], [0, 0, 1, 1], [], []>, transpose_lhs_hint = false} : vector<128x64xf32>, vector<64x32xf32>, vector<128x32xf32> -> vector<128x32xf32>
    %get3A_47 = arith.constant 0 : index
    %get3A_48 = arith.constant 0 : index
    %get3A_49 = vector.load %arg11[%get3A_47, %get3A_48] : memref<1x32xf32, #tpu.memory_space<vmem>>, vector<1x32xf32>
    %add3A_50 = vector.broadcast %get3A_49 : vector<1x32xf32> to vector<128x32xf32>
    %add3A_51 = arith.addf %dot_general3A_46, %add3A_50 : vector<128x32xf32>
    %swap3A = arith.constant 0 : index
    %swap3A_52 = arith.constant 0 : index
    %swap3A_53 = vector.load %arg28[%swap3A, %swap3A_52] : memref<128x32xf32, #tpu.memory_space<vmem>>, vector<128x32xf32>
    tpu.vector_store %arg28[%swap3A, %swap3A_52], %add3A_51 {strides = array<i32>} : memref<128x32xf32, #tpu.memory_space<vmem>>, vector<128x32xf32>,
    %get3A_54 = arith.constant 0 : index
    %get3A_55 = arith.constant 0 : index
    %get3A_56 = vector.load %arg1[%get3A_54, %get3A_55] : memref<8192x16xf32, #tpu.memory_space<vmem>>, vector<8192x16xf32>
    %get3A_57 = arith.constant 0 : index
    %get3A_58 = arith.constant 0 : index
    %get3A_59 = vector.load %arg12[%get3A_57, %get3A_58] : memref<16x16xf32, #tpu.memory_space<vmem>>, vector<16x16xf32>
    %dot_general3A_60 = arith.constant dense<0.000000e+00> : vector<8192x16xf32>
    %dot_general3A_61 = tpu.matmul %get3A_56, %get3A_59, %dot_general3A_60 {dimension_numbers = #tpu.dot_dimension_numbers<[1], [0], [0], [1], [0, 0, 1, 1], [], []>, transpose_lhs_hint = false} : vector<8192x16xf32>, vector<16x16xf32>, vector<8192x16xf32> -> vector<8192x16xf32>
    %get3A_62 = arith.constant 0 : index
    %get3A_63 = arith.constant 0 : index
    %get3A_64 = vector.load %arg13[%get3A_62, %get3A_63] : memref<1x16xf32, #tpu.memory_space<vmem>>, vector<1x16xf32>
    %add3A_65 = vector.broadcast %get3A_64 : vector<1x16xf32> to vector<8192x16xf32>
    %add3A_66 = arith.addf %dot_general3A_61, %add3A_65 : vector<8192x16xf32>
    %integer_pow3A_67 = arith.mulf %add3A_66, %add3A_66 : vector<8192x16xf32>
    %integer_pow3A_68 = arith.mulf %add3A_66, %integer_pow3A_67 : vector<8192x16xf32>
    %mul3A_69 = arith.constant 4.471500e-02 : f32
    %mul3A_70 = vector.broadcast %mul3A_69 : f32 to vector<8192x16xf32>
    %mul3A_71 = arith.mulf %mul3A_70, %integer_pow3A_68 : vector<8192x16xf32>
    %add3A_72 = arith.addf %add3A_66, %mul3A_71 : vector<8192x16xf32>
    %mul3A_73 = arith.constant 0.797884583 : f32
    %mul3A_74 = vector.broadcast %mul3A_73 : f32 to vector<8192x16xf32>
    %mul3A_75 = arith.mulf %mul3A_74, %add3A_72 : vector<8192x16xf32>
    %tanh3A_76 = math.tanh %mul3A_75 : vector<8192x16xf32>
    %add3A_77 = arith.constant 1.000000e+00 : f32
    %add3A_78 = vector.broadcast %add3A_77 : f32 to vector<8192x16xf32>
    %add3A_79 = arith.addf %add3A_78, %tanh3A_76 : vector<8192x16xf32>
    %mul3A_80 = arith.constant 5.000000e-01 : f32
    %mul3A_81 = vector.broadcast %mul3A_80 : f32 to vector<8192x16xf32>
    %mul3A_82 = arith.mulf %mul3A_81, %add3A_79 : vector<8192x16xf32>
    %mul3A_83 = arith.mulf %add3A_66, %mul3A_82 : vector<8192x16xf32>
    %get3A_84 = arith.constant 0 : index
    %get3A_85 = arith.constant 0 : index
    %get3A_86 = vector.load %arg3[%get3A_84, %get3A_85] : memref<8192x1xi32, #tpu.memory_space<vmem>>, vector<8192x1xi32>
    %iota3A_87 = tpu.iota {dimensions = array<i32: 1>} : vector<8192x8xi32>
    %eq3A = vector.broadcast %get3A_86 : vector<8192x1xi32> to vector<8192x8xi32>
    %eq3A_88 = arith.cmpi eq, %eq3A, %iota3A_87 : vector<8192x8xi32>
    %convert_element_type3A_89 = arith.extui %eq3A_88 : vector<8192x8xi1> to vector<8192x8xi32>
    %convert_element_type3A_90 = arith.sitofp %convert_element_type3A_89 : vector<8192x8xi32> to vector<8192x8xf32>
    %get3A_91 = arith.constant 0 : index
    %get3A_92 = arith.constant 0 : index
    %get3A_93 = vector.load %arg4[%get3A_91, %get3A_92] : memref<8x16xf32, #tpu.memory_space<vmem>>, vector<8x16xf32>
    %dot_general3A_94 = arith.constant dense<0.000000e+00> : vector<8192x16xf32>
    %dot_general3A_95 = tpu.matmul %convert_element_type3A_90, %get3A_93, %dot_general3A_94 {dimension_numbers = #tpu.dot_dimension_numbers<[1], [0], [0], [1], [0, 0, 1, 1], [], []>, transpose_lhs_hint = false} : vector<8192x8xf32>, vector<8x16xf32>, vector<8192x16xf32> -> vector<8192x16xf32>
    %get3A_96 = arith.constant 0 : index
    %get3A_97 = arith.constant 0 : index
    %get3A_98 = vector.load %arg2[%get3A_96, %get3A_97] : memref<8192x128xf32, #tpu.memory_space<vmem>>, vector<8192x128xf32>
    %slice3A = vector.extract_strided_slice %get3A_98 {offsets = [0, 0], sizes = [8192, 32], strides = [1, 1]} : vector<8192x128xf32> to vector<8192x32xf32>
    %concatenate3A_99 = tpu.concatenate %slice3A, %dot_general3A_95, %mul3A_83 in 1 : vector<8192x32xf32>, vector<8192x16xf32>, vector<8192x16xf32> -> vector<8192x64xf32>
    %get3A_100 = arith.constant 0 : index
    %get3A_101 = arith.constant 0 : index
    %get3A_102 = vector.load %arg14[%get3A_100, %get3A_101] : memref<64x64xf32, #tpu.memory_space<vmem>>, vector<64x64xf32>
    %dot_general3A_103 = arith.constant dense<0.000000e+00> : vector<8192x64xf32>
    %dot_general3A_104 = tpu.matmul %concatenate3A_99, %get3A_102, %dot_general3A_103 {dimension_numbers = #tpu.dot_dimension_numbers<[1], [0], [0], [1], [0, 0, 1, 1], [], []>, transpose_lhs_hint = false} : vector<8192x64xf32>, vector<64x64xf32>, vector<8192x64xf32> -> vector<8192x64xf32>
    %get3A_105 = arith.constant 0 : index
    %get3A_106 = arith.constant 0 : index
    %get3A_107 = vector.load %arg15[%get3A_105, %get3A_106] : memref<1x64xf32, #tpu.memory_space<vmem>>, vector<1x64xf32>
    %add3A_108 = vector.broadcast %get3A_107 : vector<1x64xf32> to vector<8192x64xf32>
    %add3A_109 = arith.addf %dot_general3A_104, %add3A_108 : vector<8192x64xf32>
    %integer_pow3A_110 = arith.mulf %add3A_109, %add3A_109 : vector<8192x64xf32>
    %integer_pow3A_111 = arith.mulf %add3A_109, %integer_pow3A_110 : vector<8192x64xf32>
    %mul3A_112 = arith.constant 4.471500e-02 : f32
    %mul3A_113 = vector.broadcast %mul3A_112 : f32 to vector<8192x64xf32>
    %mul3A_114 = arith.mulf %mul3A_113, %integer_pow3A_111 : vector<8192x64xf32>
    %add3A_115 = arith.addf %add3A_109, %mul3A_114 : vector<8192x64xf32>
    %mul3A_116 = arith.constant 0.797884583 : f32
    %mul3A_117 = vector.broadcast %mul3A_116 : f32 to vector<8192x64xf32>
    %mul3A_118 = arith.mulf %mul3A_117, %add3A_115 : vector<8192x64xf32>
    %tanh3A_119 = math.tanh %mul3A_118 : vector<8192x64xf32>
    %add3A_120 = arith.constant 1.000000e+00 : f32
    %add3A_121 = vector.broadcast %add3A_120 : f32 to vector<8192x64xf32>
    %add3A_122 = arith.addf %add3A_121, %tanh3A_119 : vector<8192x64xf32>
    %mul3A_123 = arith.constant 5.000000e-01 : f32
    %mul3A_124 = vector.broadcast %mul3A_123 : f32 to vector<8192x64xf32>
    %mul3A_125 = arith.mulf %mul3A_124, %add3A_122 : vector<8192x64xf32>
    %mul3A_126 = arith.mulf %add3A_109, %mul3A_125 : vector<8192x64xf32>
    %reshape3A = vector.shape_cast %mul3A_126 : vector<8192x64xf32> to vector<128x64x64xf32>
    %broadcast_in_dim3A = vector.shape_cast %add3A_41 : vector<128x64xf32> to vector<128x1x64xf32>
    %add3A_127 = vector.broadcast %broadcast_in_dim3A : vector<128x1x64xf32> to vector<128x64x64xf32>
    %add3A_128 = arith.addf %reshape3A, %add3A_127 : vector<128x64x64xf32>
    %reshape3A_129 = vector.shape_cast %add3A_128 : vector<128x64x64xf32> to vector<8192x64xf32>
    %swap3A_130 = arith.constant 0 : index
    %swap3A_131 = arith.constant 0 : index
    %swap3A_132 = vector.load %arg22[%swap3A_130, %swap3A_131] : memref<8192x64xf32, #tpu.memory_space<vmem>>, vector<8192x64xf32>
    tpu.vector_store %arg22[%swap3A_130, %swap3A_131], %reshape3A_129 {strides = array<i32>} : memref<8192x64xf32, #tpu.memory_space<vmem>>, vector<8192x64xf32>,
    %get3A_133 = arith.constant 0 : index
    %get3A_134 = arith.constant 0 : index
    %get3A_135 = vector.load %arg5[%get3A_133, %get3A_134] : memref<8x32xf32, #tpu.memory_space<vmem>>, vector<8x32xf32>
    %get3A_136 = arith.constant 0 : index
    %get3A_137 = arith.constant 0 : index
    %get3A_138 = vector.load %arg16[%get3A_136, %get3A_137] : memref<32x32xf32, #tpu.memory_space<vmem>>, vector<32x32xf32>
    %dot_general3A_139 = arith.constant dense<0.000000e+00> : vector<8x32xf32>
    %dot_general3A_140 = tpu.matmul %get3A_135, %get3A_138, %dot_general3A_139 {dimension_numbers = #tpu.dot_dimension_numbers<[1], [0], [0], [1], [0, 0, 1, 1], [], []>, transpose_lhs_hint = false} : vector<8x32xf32>, vector<32x32xf32>, vector<8x32xf32> -> vector<8x32xf32>
    %get3A_141 = arith.constant 0 : index
    %get3A_142 = arith.constant 0 : index
    %get3A_143 = vector.load %arg17[%get3A_141, %get3A_142] : memref<1x32xf32, #tpu.memory_space<vmem>>, vector<1x32xf32>
    %add3A_144 = vector.broadcast %get3A_143 : vector<1x32xf32> to vector<8x32xf32>
    %add3A_145 = arith.addf %dot_general3A_140, %add3A_144 : vector<8x32xf32>
    %integer_pow3A_146 = arith.mulf %add3A_145, %add3A_145 : vector<8x32xf32>
    %integer_pow3A_147 = arith.mulf %add3A_145, %integer_pow3A_146 : vector<8x32xf32>
    %mul3A_148 = arith.constant 4.471500e-02 : f32
    %mul3A_149 = vector.broadcast %mul3A_148 : f32 to vector<8x32xf32>
    %mul3A_150 = arith.mulf %mul3A_149, %integer_pow3A_147 : vector<8x32xf32>
    %add3A_151 = arith.addf %add3A_145, %mul3A_150 : vector<8x32xf32>
    %mul3A_152 = arith.constant 0.797884583 : f32
    %mul3A_153 = vector.broadcast %mul3A_152 : f32 to vector<8x32xf32>
    %mul3A_154 = arith.mulf %mul3A_153, %add3A_151 : vector<8x32xf32>
    %tanh3A_155 = math.tanh %mul3A_154 : vector<8x32xf32>
    %add3A_156 = arith.constant 1.000000e+00 : f32
    %add3A_157 = vector.broadcast %add3A_156 : f32 to vector<8x32xf32>
    %add3A_158 = arith.addf %add3A_157, %tanh3A_155 : vector<8x32xf32>
    %mul3A_159 = arith.constant 5.000000e-01 : f32
    %mul3A_160 = vector.broadcast %mul3A_159 : f32 to vector<8x32xf32>
    %mul3A_161 = arith.mulf %mul3A_160, %add3A_158 : vector<8x32xf32>
    %mul3A_162 = arith.mulf %add3A_145, %mul3A_161 : vector<8x32xf32>
    %get3A_163 = arith.constant 0 : index
    %get3A_164 = arith.constant 0 : index
    %get3A_165 = vector.load %arg18[%get3A_163, %get3A_164] : memref<160x64xf32, #tpu.memory_space<vmem>>, vector<160x64xf32>
    %slice3A_166 = vector.extract_strided_slice %get3A_165 {offsets = [0, 0], sizes = [64, 64], strides = [1, 1]} : vector<160x64xf32> to vector<64x64xf32>
    %slice3A_167 = vector.extract_strided_slice %get3A_165 {offsets = [64, 0], sizes = [64, 64], strides = [1, 1]} : vector<160x64xf32> to vector<64x64xf32>
    %slice3A_168 = vector.extract_strided_slice %get3A_165 {offsets = [128, 0], sizes = [32, 64], strides = [1, 1]} : vector<160x64xf32> to vector<32x64xf32>
    %get3A_169 = arith.constant 0 : index
    %get3A_170 = arith.constant 0 : index
    %get3A_171 = vector.load %arg20[%get3A_169, %get3A_170] : memref<160x32xf32, #tpu.memory_space<vmem>>, vector<160x32xf32>
    %slice3A_172 = vector.extract_strided_slice %get3A_171 {offsets = [0, 0], sizes = [64, 32], strides = [1, 1]} : vector<160x32xf32> to vector<64x32xf32>
    %slice3A_173 = vector.extract_strided_slice %get3A_171 {offsets = [64, 0], sizes = [64, 32], strides = [1, 1]} : vector<160x32xf32> to vector<64x32xf32>
    %slice3A_174 = vector.extract_strided_slice %get3A_171 {offsets = [128, 0], sizes = [32, 32], strides = [1, 1]} : vector<160x32xf32> to vector<32x32xf32>
    %dot_general3A_175 = arith.constant dense<0.000000e+00> : vector<8x64xf32>
    %dot_general3A_176 = tpu.matmul %mul3A_162, %slice3A_168, %dot_general3A_175 {dimension_numbers = #tpu.dot_dimension_numbers<[1], [0], [0], [1], [0, 0, 1, 1], [], []>, transpose_lhs_hint = false} : vector<8x32xf32>, vector<32x64xf32>, vector<8x64xf32> -> vector<8x64xf32>
    %dot_general3A_177 = arith.constant dense<0.000000e+00> : vector<8x32xf32>
    %dot_general3A_178 = tpu.matmul %mul3A_162, %slice3A_174, %dot_general3A_177 {dimension_numbers = #tpu.dot_dimension_numbers<[1], [0], [0], [1], [0, 0, 1, 1], [], []>, transpose_lhs_hint = false} : vector<8x32xf32>, vector<32x32xf32>, vector<8x32xf32> -> vector<8x32xf32>
    %concatenate3A_179 = tpu.concatenate %dot_general3A_176, %dot_general3A_178, %mul3A_162 in 1 : vector<8x64xf32>, vector<8x32xf32>, vector<8x32xf32> -> vector<8x128xf32>
    %swap3A_180 = arith.constant 0 : index
    %swap3A_181 = arith.constant 0 : index
    %swap3A_182 = vector.load %arg27[%swap3A_180, %swap3A_181] : memref<8x128xf32, #tpu.memory_space<vmem>>, vector<8x128xf32>
    tpu.vector_store %arg27[%swap3A_180, %swap3A_181], %concatenate3A_179 {strides = array<i32>} : memref<8x128xf32, #tpu.memory_space<vmem>>, vector<8x128xf32>,
    %dot_general3A_183 = arith.constant dense<0.000000e+00> : vector<128x64xf32>
    %dot_general3A_184 = tpu.matmul %add3A_51, %slice3A_168, %dot_general3A_183 {dimension_numbers = #tpu.dot_dimension_numbers<[1], [0], [0], [1], [0, 0, 1, 1], [], []>, transpose_lhs_hint = false} : vector<128x32xf32>, vector<32x64xf32>, vector<128x64xf32> -> vector<128x64xf32>
    %get3A_185 = arith.constant 0 : index
    %get3A_186 = arith.constant 0 : index
    %get3A_187 = vector.load %arg19[%get3A_185, %get3A_186] : memref<1x64xf32, #tpu.memory_space<vmem>>, vector<1x64xf32>
    %add3A_188 = vector.broadcast %get3A_187 : vector<1x64xf32> to vector<128x64xf32>
    %add3A_189 = arith.addf %dot_general3A_184, %add3A_188 : vector<128x64xf32>
    %dot_general3A_190 = arith.constant dense<0.000000e+00> : vector<128x32xf32>
    %dot_general3A_191 = tpu.matmul %add3A_51, %slice3A_174, %dot_general3A_190 {dimension_numbers = #tpu.dot_dimension_numbers<[1], [0], [0], [1], [0, 0, 1, 1], [], []>, transpose_lhs_hint = false} : vector<128x32xf32>, vector<32x32xf32>, vector<128x32xf32> -> vector<128x32xf32>
    %get3A_192 = arith.constant 0 : index
    %get3A_193 = arith.constant 0 : index
    %get3A_194 = vector.load %arg21[%get3A_192, %get3A_193] : memref<1x32xf32, #tpu.memory_space<vmem>>, vector<1x32xf32>
    %add3A_195 = vector.broadcast %get3A_194 : vector<1x32xf32> to vector<128x32xf32>
    %add3A_196 = arith.addf %dot_general3A_191, %add3A_195 : vector<128x32xf32>
    %dot_general3A_197 = arith.constant dense<0.000000e+00> : vector<8192x64xf32>
    %dot_general3A_198 = tpu.matmul %reshape3A_129, %slice3A_166, %dot_general3A_197 {dimension_numbers = #tpu.dot_dimension_numbers<[1], [0], [0], [1], [0, 0, 1, 1], [], []>, transpose_lhs_hint = false} : vector<8192x64xf32>, vector<64x64xf32>, vector<8192x64xf32> -> vector<8192x64xf32>
    %reshape3A_199 = vector.shape_cast %dot_general3A_198 : vector<8192x64xf32> to vector<128x64x64xf32>
    %broadcast_in_dim3A_200 = vector.shape_cast %add3A_189 : vector<128x64xf32> to vector<128x1x64xf32>
    %add3A_201 = vector.broadcast %broadcast_in_dim3A_200 : vector<128x1x64xf32> to vector<128x64x64xf32>
    %add3A_202 = arith.addf %reshape3A_199, %add3A_201 : vector<128x64x64xf32>
    %reshape3A_203 = vector.shape_cast %add3A_202 : vector<128x64x64xf32> to vector<8192x64xf32>
    %dot_general3A_204 = arith.constant dense<0.000000e+00> : vector<8192x32xf32>
    %dot_general3A_205 = tpu.matmul %reshape3A_129, %slice3A_172, %dot_general3A_204 {dimension_numbers = #tpu.dot_dimension_numbers<[1], [0], [0], [1], [0, 0, 1, 1], [], []>, transpose_lhs_hint = false} : vector<8192x64xf32>, vector<64x32xf32>, vector<8192x32xf32> -> vector<8192x32xf32>
    %reshape3A_206 = vector.shape_cast %dot_general3A_205 : vector<8192x32xf32> to vector<128x64x32xf32>
    %broadcast_in_dim3A_207 = vector.shape_cast %add3A_196 : vector<128x32xf32> to vector<128x1x32xf32>
    %add3A_208 = vector.broadcast %broadcast_in_dim3A_207 : vector<128x1x32xf32> to vector<128x64x32xf32>
    %add3A_209 = arith.addf %reshape3A_206, %add3A_208 : vector<128x64x32xf32>
    %reshape3A_210 = vector.shape_cast %add3A_209 : vector<128x64x32xf32> to vector<8192x32xf32>
    %swap3A_211 = arith.constant 0 : index
    %swap3A_212 = arith.constant 0 : index
    %swap3A_213 = vector.load %arg23[%swap3A_211, %swap3A_212] : memref<8192x64xf32, #tpu.memory_space<vmem>>, vector<8192x64xf32>
    tpu.vector_store %arg23[%swap3A_211, %swap3A_212], %reshape3A_203 {strides = array<i32>} : memref<8192x64xf32, #tpu.memory_space<vmem>>, vector<8192x64xf32>,
    %dot_general3A_214 = arith.constant dense<0.000000e+00> : vector<8192x64xf32>
    %dot_general3A_215 = tpu.matmul %reshape3A_129, %slice3A_167, %dot_general3A_214 {dimension_numbers = #tpu.dot_dimension_numbers<[1], [0], [0], [1], [0, 0, 1, 1], [], []>, transpose_lhs_hint = false} : vector<8192x64xf32>, vector<64x64xf32>, vector<8192x64xf32> -> vector<8192x64xf32>
    %swap3A_216 = arith.constant 0 : index
    %swap3A_217 = arith.constant 0 : index
    %swap3A_218 = vector.load %arg24[%swap3A_216, %swap3A_217] : memref<8192x64xf32, #tpu.memory_space<vmem>>, vector<8192x64xf32>
    tpu.vector_store %arg24[%swap3A_216, %swap3A_217], %dot_general3A_215 {strides = array<i32>} : memref<8192x64xf32, #tpu.memory_space<vmem>>, vector<8192x64xf32>,
    %swap3A_219 = arith.constant 0 : index
    %swap3A_220 = arith.constant 0 : index
    %swap3A_221 = vector.load %arg25[%swap3A_219, %swap3A_220] : memref<8192x32xf32, #tpu.memory_space<vmem>>, vector<8192x32xf32>
    tpu.vector_store %arg25[%swap3A_219, %swap3A_220], %reshape3A_210 {strides = array<i32>} : memref<8192x32xf32, #tpu.memory_space<vmem>>, vector<8192x32xf32>,
    %dot_general3A_222 = arith.constant dense<0.000000e+00> : vector<8192x32xf32>
    %dot_general3A_223 = tpu.matmul %reshape3A_129, %slice3A_173, %dot_general3A_222 {dimension_numbers = #tpu.dot_dimension_numbers<[1], [0], [0], [1], [0, 0, 1, 1], [], []>, transpose_lhs_hint = false} : vector<8192x64xf32>, vector<64x32xf32>, vector<8192x32xf32> -> vector<8192x32xf32>
    %swap3A_224 = arith.constant 0 : index
    %swap3A_225 = arith.constant 0 : index
    %swap3A_226 = vector.load %arg26[%swap3A_224, %swap3A_225] : memref<8192x32xf32, #tpu.memory_space<vmem>>, vector<8192x32xf32>
    tpu.vector_store %arg26[%swap3A_224, %swap3A_225], %dot_general3A_223 {strides = array<i32>} : memref<8192x32xf32, #tpu.memory_space<vmem>>, vector<8192x32xf32>,
    return
  }
}

module attributes {stable_mosaic.version = 14 : i64} {
  func.func @_pairs_kernel(%arg0: i32, %arg1: memref<1x64x128xi32, #tpu.memory_space<vmem>>, %arg2: memref<1x64x128xf32, #tpu.memory_space<vmem>>, %arg3: memref<1x128x128xf32, #tpu.memory_space<vmem>>, %arg4: memref<64x128x128xf32, #tpu.memory_space<vmem>>, %arg5: memref<128x8xf32, #tpu.memory_space<vmem>>, %arg6: memref<32x128xf32, #tpu.memory_space<vmem>>, %arg7: memref<1x64x128xf32, #tpu.memory_space<vmem>>, %arg8: memref<1x64x32x128xf32, #tpu.memory_space<vmem>>) attributes {dimension_semantics = [#tpu.dimension_semantics<arbitrary>], iteration_bounds = array<i64: 64>, scalar_prefetch = 0 : i64, scratch_operands = 0 : i64, tpu.core_type = #tpu.core_type<tc>, window_params = [{transform_indices = @transform_0, window_bounds = array<i64: 1, 64, 128>}, {transform_indices = @transform_1, window_bounds = array<i64: 1, 64, 128>}, {transform_indices = @transform_2, window_bounds = array<i64: 1, 128, 128>}, {pipeline_mode = #tpu.pipeline_mode<synchronous>, transform_indices = @transform_3, window_bounds = array<i64: 64, 128, 128>}, {pipeline_mode = #tpu.pipeline_mode<synchronous>, transform_indices = @transform_4, window_bounds = array<i64: 128, 8>}, {pipeline_mode = #tpu.pipeline_mode<synchronous>, transform_indices = @transform_5, window_bounds = array<i64: 32, 128>}, {transform_indices = @transform_6, window_bounds = array<i64: 1, 64, 128>}, {transform_indices = @transform_7, window_bounds = array<i64: 1, 64, 32, 128>}]} {
    %get3A = arith.constant 0 : index
    %get3A_0 = arith.constant 0 : index
    %get3A_1 = arith.constant 0 : index
    %get3A_2 = vector.load %arg1[%get3A, %get3A_0, %get3A_1] : memref<1x64x128xi32, #tpu.memory_space<vmem>>, vector<1x64x128xi32>
    %squeeze3A = vector.shape_cast %get3A_2 : vector<1x64x128xi32> to vector<64x128xi32>
    %get3A_3 = arith.constant 0 : index
    %get3A_4 = arith.constant 0 : index
    %get3A_5 = vector.load %arg5[%get3A_3, %get3A_4] : memref<128x8xf32, #tpu.memory_space<vmem>>, vector<128x8xf32>
    %broadcast_in_dim3A = vector.shape_cast %squeeze3A : vector<64x128xi32> to vector<1x64x128xi32>
    %iota3A = tpu.iota {dimensions = array<i32: 0>} : vector<8x64x128xi32>
    %eq3A = vector.broadcast %broadcast_in_dim3A : vector<1x64x128xi32> to vector<8x64x128xi32>
    %eq3A_6 = arith.cmpi eq, %eq3A, %iota3A : vector<8x64x128xi32>
    %convert_element_type3A = arith.extui %eq3A_6 : vector<8x64x128xi1> to vector<8x64x128xi32>
    %convert_element_type3A_7 = arith.sitofp %convert_element_type3A : vector<8x64x128xi32> to vector<8x64x128xf32>
    %slice3A = vector.extract_strided_slice %convert_element_type3A_7 {offsets = [0, 0, 0], sizes = [8, 1, 128], strides = [1, 1, 1]} : vector<8x64x128xf32> to vector<8x1x128xf32>
    %squeeze3A_8 = vector.shape_cast %slice3A : vector<8x1x128xf32> to vector<8x128xf32>
    %dot_general3A = arith.constant dense<0.000000e+00> : vector<128x128xf32>
    %dot_general3A_9 = tpu.matmul %get3A_5, %squeeze3A_8, %dot_general3A {dimension_numbers = #tpu.dot_dimension_numbers<[1], [0], [0], [1], [0, 0, 1, 1], [], []>, transpose_lhs_hint = false} : vector<128x8xf32>, vector<8x128xf32>, vector<128x128xf32> -> vector<128x128xf32>
    %slice3A_10 = vector.extract_strided_slice %convert_element_type3A_7 {offsets = [0, 1, 0], sizes = [8, 1, 128], strides = [1, 1, 1]} : vector<8x64x128xf32> to vector<8x1x128xf32>
    %squeeze3A_11 = vector.shape_cast %slice3A_10 : vector<8x1x128xf32> to vector<8x128xf32>
    %dot_general3A_12 = arith.constant dense<0.000000e+00> : vector<128x128xf32>
    %dot_general3A_13 = tpu.matmul %get3A_5, %squeeze3A_11, %dot_general3A_12 {dimension_numbers = #tpu.dot_dimension_numbers<[1], [0], [0], [1], [0, 0, 1, 1], [], []>, transpose_lhs_hint = false} : vector<128x8xf32>, vector<8x128xf32>, vector<128x128xf32> -> vector<128x128xf32>
    %slice3A_14 = vector.extract_strided_slice %convert_element_type3A_7 {offsets = [0, 2, 0], sizes = [8, 1, 128], strides = [1, 1, 1]} : vector<8x64x128xf32> to vector<8x1x128xf32>
    %squeeze3A_15 = vector.shape_cast %slice3A_14 : vector<8x1x128xf32> to vector<8x128xf32>
    %dot_general3A_16 = arith.constant dense<0.000000e+00> : vector<128x128xf32>
    %dot_general3A_17 = tpu.matmul %get3A_5, %squeeze3A_15, %dot_general3A_16 {dimension_numbers = #tpu.dot_dimension_numbers<[1], [0], [0], [1], [0, 0, 1, 1], [], []>, transpose_lhs_hint = false} : vector<128x8xf32>, vector<8x128xf32>, vector<128x128xf32> -> vector<128x128xf32>
    %slice3A_18 = vector.extract_strided_slice %convert_element_type3A_7 {offsets = [0, 3, 0], sizes = [8, 1, 128], strides = [1, 1, 1]} : vector<8x64x128xf32> to vector<8x1x128xf32>
    %squeeze3A_19 = vector.shape_cast %slice3A_18 : vector<8x1x128xf32> to vector<8x128xf32>
    %dot_general3A_20 = arith.constant dense<0.000000e+00> : vector<128x128xf32>
    %dot_general3A_21 = tpu.matmul %get3A_5, %squeeze3A_19, %dot_general3A_20 {dimension_numbers = #tpu.dot_dimension_numbers<[1], [0], [0], [1], [0, 0, 1, 1], [], []>, transpose_lhs_hint = false} : vector<128x8xf32>, vector<8x128xf32>, vector<128x128xf32> -> vector<128x128xf32>
    %slice3A_22 = vector.extract_strided_slice %convert_element_type3A_7 {offsets = [0, 4, 0], sizes = [8, 1, 128], strides = [1, 1, 1]} : vector<8x64x128xf32> to vector<8x1x128xf32>
    %squeeze3A_23 = vector.shape_cast %slice3A_22 : vector<8x1x128xf32> to vector<8x128xf32>
    %dot_general3A_24 = arith.constant dense<0.000000e+00> : vector<128x128xf32>
    %dot_general3A_25 = tpu.matmul %get3A_5, %squeeze3A_23, %dot_general3A_24 {dimension_numbers = #tpu.dot_dimension_numbers<[1], [0], [0], [1], [0, 0, 1, 1], [], []>, transpose_lhs_hint = false} : vector<128x8xf32>, vector<8x128xf32>, vector<128x128xf32> -> vector<128x128xf32>
    %slice3A_26 = vector.extract_strided_slice %convert_element_type3A_7 {offsets = [0, 5, 0], sizes = [8, 1, 128], strides = [1, 1, 1]} : vector<8x64x128xf32> to vector<8x1x128xf32>
    %squeeze3A_27 = vector.shape_cast %slice3A_26 : vector<8x1x128xf32> to vector<8x128xf32>
    %dot_general3A_28 = arith.constant dense<0.000000e+00> : vector<128x128xf32>
    %dot_general3A_29 = tpu.matmul %get3A_5, %squeeze3A_27, %dot_general3A_28 {dimension_numbers = #tpu.dot_dimension_numbers<[1], [0], [0], [1], [0, 0, 1, 1], [], []>, transpose_lhs_hint = false} : vector<128x8xf32>, vector<8x128xf32>, vector<128x128xf32> -> vector<128x128xf32>
    %slice3A_30 = vector.extract_strided_slice %convert_element_type3A_7 {offsets = [0, 6, 0], sizes = [8, 1, 128], strides = [1, 1, 1]} : vector<8x64x128xf32> to vector<8x1x128xf32>
    %squeeze3A_31 = vector.shape_cast %slice3A_30 : vector<8x1x128xf32> to vector<8x128xf32>
    %dot_general3A_32 = arith.constant dense<0.000000e+00> : vector<128x128xf32>
    %dot_general3A_33 = tpu.matmul %get3A_5, %squeeze3A_31, %dot_general3A_32 {dimension_numbers = #tpu.dot_dimension_numbers<[1], [0], [0], [1], [0, 0, 1, 1], [], []>, transpose_lhs_hint = false} : vector<128x8xf32>, vector<8x128xf32>, vector<128x128xf32> -> vector<128x128xf32>
    %slice3A_34 = vector.extract_strided_slice %convert_element_type3A_7 {offsets = [0, 7, 0], sizes = [8, 1, 128], strides = [1, 1, 1]} : vector<8x64x128xf32> to vector<8x1x128xf32>
    %squeeze3A_35 = vector.shape_cast %slice3A_34 : vector<8x1x128xf32> to vector<8x128xf32>
    %dot_general3A_36 = arith.constant dense<0.000000e+00> : vector<128x128xf32>
    %dot_general3A_37 = tpu.matmul %get3A_5, %squeeze3A_35, %dot_general3A_36 {dimension_numbers = #tpu.dot_dimension_numbers<[1], [0], [0], [1], [0, 0, 1, 1], [], []>, transpose_lhs_hint = false} : vector<128x8xf32>, vector<8x128xf32>, vector<128x128xf32> -> vector<128x128xf32>
    %slice3A_38 = vector.extract_strided_slice %convert_element_type3A_7 {offsets = [0, 8, 0], sizes = [8, 1, 128], strides = [1, 1, 1]} : vector<8x64x128xf32> to vector<8x1x128xf32>
    %squeeze3A_39 = vector.shape_cast %slice3A_38 : vector<8x1x128xf32> to vector<8x128xf32>
    %dot_general3A_40 = arith.constant dense<0.000000e+00> : vector<128x128xf32>
    %dot_general3A_41 = tpu.matmul %get3A_5, %squeeze3A_39, %dot_general3A_40 {dimension_numbers = #tpu.dot_dimension_numbers<[1], [0], [0], [1], [0, 0, 1, 1], [], []>, transpose_lhs_hint = false} : vector<128x8xf32>, vector<8x128xf32>, vector<128x128xf32> -> vector<128x128xf32>
    %slice3A_42 = vector.extract_strided_slice %convert_element_type3A_7 {offsets = [0, 9, 0], sizes = [8, 1, 128], strides = [1, 1, 1]} : vector<8x64x128xf32> to vector<8x1x128xf32>
    %squeeze3A_43 = vector.shape_cast %slice3A_42 : vector<8x1x128xf32> to vector<8x128xf32>
    %dot_general3A_44 = arith.constant dense<0.000000e+00> : vector<128x128xf32>
    %dot_general3A_45 = tpu.matmul %get3A_5, %squeeze3A_43, %dot_general3A_44 {dimension_numbers = #tpu.dot_dimension_numbers<[1], [0], [0], [1], [0, 0, 1, 1], [], []>, transpose_lhs_hint = false} : vector<128x8xf32>, vector<8x128xf32>, vector<128x128xf32> -> vector<128x128xf32>
    %slice3A_46 = vector.extract_strided_slice %convert_element_type3A_7 {offsets = [0, 10, 0], sizes = [8, 1, 128], strides = [1, 1, 1]} : vector<8x64x128xf32> to vector<8x1x128xf32>
    %squeeze3A_47 = vector.shape_cast %slice3A_46 : vector<8x1x128xf32> to vector<8x128xf32>
    %dot_general3A_48 = arith.constant dense<0.000000e+00> : vector<128x128xf32>
    %dot_general3A_49 = tpu.matmul %get3A_5, %squeeze3A_47, %dot_general3A_48 {dimension_numbers = #tpu.dot_dimension_numbers<[1], [0], [0], [1], [0, 0, 1, 1], [], []>, transpose_lhs_hint = false} : vector<128x8xf32>, vector<8x128xf32>, vector<128x128xf32> -> vector<128x128xf32>
    %slice3A_50 = vector.extract_strided_slice %convert_element_type3A_7 {offsets = [0, 11, 0], sizes = [8, 1, 128], strides = [1, 1, 1]} : vector<8x64x128xf32> to vector<8x1x128xf32>
    %squeeze3A_51 = vector.shape_cast %slice3A_50 : vector<8x1x128xf32> to vector<8x128xf32>
    %dot_general3A_52 = arith.constant dense<0.000000e+00> : vector<128x128xf32>
    %dot_general3A_53 = tpu.matmul %get3A_5, %squeeze3A_51, %dot_general3A_52 {dimension_numbers = #tpu.dot_dimension_numbers<[1], [0], [0], [1], [0, 0, 1, 1], [], []>, transpose_lhs_hint = false} : vector<128x8xf32>, vector<8x128xf32>, vector<128x128xf32> -> vector<128x128xf32>
    %slice3A_54 = vector.extract_strided_slice %convert_element_type3A_7 {offsets = [0, 12, 0], sizes = [8, 1, 128], strides = [1, 1, 1]} : vector<8x64x128xf32> to vector<8x1x128xf32>
    %squeeze3A_55 = vector.shape_cast %slice3A_54 : vector<8x1x128xf32> to vector<8x128xf32>
    %dot_general3A_56 = arith.constant dense<0.000000e+00> : vector<128x128xf32>
    %dot_general3A_57 = tpu.matmul %get3A_5, %squeeze3A_55, %dot_general3A_56 {dimension_numbers = #tpu.dot_dimension_numbers<[1], [0], [0], [1], [0, 0, 1, 1], [], []>, transpose_lhs_hint = false} : vector<128x8xf32>, vector<8x128xf32>, vector<128x128xf32> -> vector<128x128xf32>
    %slice3A_58 = vector.extract_strided_slice %convert_element_type3A_7 {offsets = [0, 13, 0], sizes = [8, 1, 128], strides = [1, 1, 1]} : vector<8x64x128xf32> to vector<8x1x128xf32>
    %squeeze3A_59 = vector.shape_cast %slice3A_58 : vector<8x1x128xf32> to vector<8x128xf32>
    %dot_general3A_60 = arith.constant dense<0.000000e+00> : vector<128x128xf32>
    %dot_general3A_61 = tpu.matmul %get3A_5, %squeeze3A_59, %dot_general3A_60 {dimension_numbers = #tpu.dot_dimension_numbers<[1], [0], [0], [1], [0, 0, 1, 1], [], []>, transpose_lhs_hint = false} : vector<128x8xf32>, vector<8x128xf32>, vector<128x128xf32> -> vector<128x128xf32>
    %slice3A_62 = vector.extract_strided_slice %convert_element_type3A_7 {offsets = [0, 14, 0], sizes = [8, 1, 128], strides = [1, 1, 1]} : vector<8x64x128xf32> to vector<8x1x128xf32>
    %squeeze3A_63 = vector.shape_cast %slice3A_62 : vector<8x1x128xf32> to vector<8x128xf32>
    %dot_general3A_64 = arith.constant dense<0.000000e+00> : vector<128x128xf32>
    %dot_general3A_65 = tpu.matmul %get3A_5, %squeeze3A_63, %dot_general3A_64 {dimension_numbers = #tpu.dot_dimension_numbers<[1], [0], [0], [1], [0, 0, 1, 1], [], []>, transpose_lhs_hint = false} : vector<128x8xf32>, vector<8x128xf32>, vector<128x128xf32> -> vector<128x128xf32>
    %slice3A_66 = vector.extract_strided_slice %convert_element_type3A_7 {offsets = [0, 15, 0], sizes = [8, 1, 128], strides = [1, 1, 1]} : vector<8x64x128xf32> to vector<8x1x128xf32>
    %squeeze3A_67 = vector.shape_cast %slice3A_66 : vector<8x1x128xf32> to vector<8x128xf32>
    %dot_general3A_68 = arith.constant dense<0.000000e+00> : vector<128x128xf32>
    %dot_general3A_69 = tpu.matmul %get3A_5, %squeeze3A_67, %dot_general3A_68 {dimension_numbers = #tpu.dot_dimension_numbers<[1], [0], [0], [1], [0, 0, 1, 1], [], []>, transpose_lhs_hint = false} : vector<128x8xf32>, vector<8x128xf32>, vector<128x128xf32> -> vector<128x128xf32>
    %slice3A_70 = vector.extract_strided_slice %convert_element_type3A_7 {offsets = [0, 16, 0], sizes = [8, 1, 128], strides = [1, 1, 1]} : vector<8x64x128xf32> to vector<8x1x128xf32>
    %squeeze3A_71 = vector.shape_cast %slice3A_70 : vector<8x1x128xf32> to vector<8x128xf32>
    %dot_general3A_72 = arith.constant dense<0.000000e+00> : vector<128x128xf32>
    %dot_general3A_73 = tpu.matmul %get3A_5, %squeeze3A_71, %dot_general3A_72 {dimension_numbers = #tpu.dot_dimension_numbers<[1], [0], [0], [1], [0, 0, 1, 1], [], []>, transpose_lhs_hint = false} : vector<128x8xf32>, vector<8x128xf32>, vector<128x128xf32> -> vector<128x128xf32>
    %slice3A_74 = vector.extract_strided_slice %convert_element_type3A_7 {offsets = [0, 17, 0], sizes = [8, 1, 128], strides = [1, 1, 1]} : vector<8x64x128xf32> to vector<8x1x128xf32>
    %squeeze3A_75 = vector.shape_cast %slice3A_74 : vector<8x1x128xf32> to vector<8x128xf32>
    %dot_general3A_76 = arith.constant dense<0.000000e+00> : vector<128x128xf32>
    %dot_general3A_77 = tpu.matmul %get3A_5, %squeeze3A_75, %dot_general3A_76 {dimension_numbers = #tpu.dot_dimension_numbers<[1], [0], [0], [1], [0, 0, 1, 1], [], []>, transpose_lhs_hint = false} : vector<128x8xf32>, vector<8x128xf32>, vector<128x128xf32> -> vector<128x128xf32>
    %slice3A_78 = vector.extract_strided_slice %convert_element_type3A_7 {offsets = [0, 18, 0], sizes = [8, 1, 128], strides = [1, 1, 1]} : vector<8x64x128xf32> to vector<8x1x128xf32>
    %squeeze3A_79 = vector.shape_cast %slice3A_78 : vector<8x1x128xf32> to vector<8x128xf32>
    %dot_general3A_80 = arith.constant dense<0.000000e+00> : vector<128x128xf32>
    %dot_general3A_81 = tpu.matmul %get3A_5, %squeeze3A_79, %dot_general3A_80 {dimension_numbers = #tpu.dot_dimension_numbers<[1], [0], [0], [1], [0, 0, 1, 1], [], []>, transpose_lhs_hint = false} : vector<128x8xf32>, vector<8x128xf32>, vector<128x128xf32> -> vector<128x128xf32>
    %slice3A_82 = vector.extract_strided_slice %convert_element_type3A_7 {offsets = [0, 19, 0], sizes = [8, 1, 128], strides = [1, 1, 1]} : vector<8x64x128xf32> to vector<8x1x128xf32>
    %squeeze3A_83 = vector.shape_cast %slice3A_82 : vector<8x1x128xf32> to vector<8x128xf32>
    %dot_general3A_84 = arith.constant dense<0.000000e+00> : vector<128x128xf32>
    %dot_general3A_85 = tpu.matmul %get3A_5, %squeeze3A_83, %dot_general3A_84 {dimension_numbers = #tpu.dot_dimension_numbers<[1], [0], [0], [1], [0, 0, 1, 1], [], []>, transpose_lhs_hint = false} : vector<128x8xf32>, vector<8x128xf32>, vector<128x128xf32> -> vector<128x128xf32>
    %slice3A_86 = vector.extract_strided_slice %convert_element_type3A_7 {offsets = [0, 20, 0], sizes = [8, 1, 128], strides = [1, 1, 1]} : vector<8x64x128xf32> to vector<8x1x128xf32>
    %squeeze3A_87 = vector.shape_cast %slice3A_86 : vector<8x1x128xf32> to vector<8x128xf32>
    %dot_general3A_88 = arith.constant dense<0.000000e+00> : vector<128x128xf32>
    %dot_general3A_89 = tpu.matmul %get3A_5, %squeeze3A_87, %dot_general3A_88 {dimension_numbers = #tpu.dot_dimension_numbers<[1], [0], [0], [1], [0, 0, 1, 1], [], []>, transpose_lhs_hint = false} : vector<128x8xf32>, vector<8x128xf32>, vector<128x128xf32> -> vector<128x128xf32>
    %slice3A_90 = vector.extract_strided_slice %convert_element_type3A_7 {offsets = [0, 21, 0], sizes = [8, 1, 128], strides = [1, 1, 1]} : vector<8x64x128xf32> to vector<8x1x128xf32>
    %squeeze3A_91 = vector.shape_cast %slice3A_90 : vector<8x1x128xf32> to vector<8x128xf32>
    %dot_general3A_92 = arith.constant dense<0.000000e+00> : vector<128x128xf32>
    %dot_general3A_93 = tpu.matmul %get3A_5, %squeeze3A_91, %dot_general3A_92 {dimension_numbers = #tpu.dot_dimension_numbers<[1], [0], [0], [1], [0, 0, 1, 1], [], []>, transpose_lhs_hint = false} : vector<128x8xf32>, vector<8x128xf32>, vector<128x128xf32> -> vector<128x128xf32>
    %slice3A_94 = vector.extract_strided_slice %convert_element_type3A_7 {offsets = [0, 22, 0], sizes = [8, 1, 128], strides = [1, 1, 1]} : vector<8x64x128xf32> to vector<8x1x128xf32>
    %squeeze3A_95 = vector.shape_cast %slice3A_94 : vector<8x1x128xf32> to vector<8x128xf32>
    %dot_general3A_96 = arith.constant dense<0.000000e+00> : vector<128x128xf32>
    %dot_general3A_97 = tpu.matmul %get3A_5, %squeeze3A_95, %dot_general3A_96 {dimension_numbers = #tpu.dot_dimension_numbers<[1], [0], [0], [1], [0, 0, 1, 1], [], []>, transpose_lhs_hint = false} : vector<128x8xf32>, vector<8x128xf32>, vector<128x128xf32> -> vector<128x128xf32>
    %slice3A_98 = vector.extract_strided_slice %convert_element_type3A_7 {offsets = [0, 23, 0], sizes = [8, 1, 128], strides = [1, 1, 1]} : vector<8x64x128xf32> to vector<8x1x128xf32>
    %squeeze3A_99 = vector.shape_cast %slice3A_98 : vector<8x1x128xf32> to vector<8x128xf32>
    %dot_general3A_100 = arith.constant dense<0.000000e+00> : vector<128x128xf32>
    %dot_general3A_101 = tpu.matmul %get3A_5, %squeeze3A_99, %dot_general3A_100 {dimension_numbers = #tpu.dot_dimension_numbers<[1], [0], [0], [1], [0, 0, 1, 1], [], []>, transpose_lhs_hint = false} : vector<128x8xf32>, vector<8x128xf32>, vector<128x128xf32> -> vector<128x128xf32>
    %slice3A_102 = vector.extract_strided_slice %convert_element_type3A_7 {offsets = [0, 24, 0], sizes = [8, 1, 128], strides = [1, 1, 1]} : vector<8x64x128xf32> to vector<8x1x128xf32>
    %squeeze3A_103 = vector.shape_cast %slice3A_102 : vector<8x1x128xf32> to vector<8x128xf32>
    %dot_general3A_104 = arith.constant dense<0.000000e+00> : vector<128x128xf32>
    %dot_general3A_105 = tpu.matmul %get3A_5, %squeeze3A_103, %dot_general3A_104 {dimension_numbers = #tpu.dot_dimension_numbers<[1], [0], [0], [1], [0, 0, 1, 1], [], []>, transpose_lhs_hint = false} : vector<128x8xf32>, vector<8x128xf32>, vector<128x128xf32> -> vector<128x128xf32>
    %slice3A_106 = vector.extract_strided_slice %convert_element_type3A_7 {offsets = [0, 25, 0], sizes = [8, 1, 128], strides = [1, 1, 1]} : vector<8x64x128xf32> to vector<8x1x128xf32>
    %squeeze3A_107 = vector.shape_cast %slice3A_106 : vector<8x1x128xf32> to vector<8x128xf32>
    %dot_general3A_108 = arith.constant dense<0.000000e+00> : vector<128x128xf32>
    %dot_general3A_109 = tpu.matmul %get3A_5, %squeeze3A_107, %dot_general3A_108 {dimension_numbers = #tpu.dot_dimension_numbers<[1], [0], [0], [1], [0, 0, 1, 1], [], []>, transpose_lhs_hint = false} : vector<128x8xf32>, vector<8x128xf32>, vector<128x128xf32> -> vector<128x128xf32>
    %slice3A_110 = vector.extract_strided_slice %convert_element_type3A_7 {offsets = [0, 26, 0], sizes = [8, 1, 128], strides = [1, 1, 1]} : vector<8x64x128xf32> to vector<8x1x128xf32>
    %squeeze3A_111 = vector.shape_cast %slice3A_110 : vector<8x1x128xf32> to vector<8x128xf32>
    %dot_general3A_112 = arith.constant dense<0.000000e+00> : vector<128x128xf32>
    %dot_general3A_113 = tpu.matmul %get3A_5, %squeeze3A_111, %dot_general3A_112 {dimension_numbers = #tpu.dot_dimension_numbers<[1], [0], [0], [1], [0, 0, 1, 1], [], []>, transpose_lhs_hint = false} : vector<128x8xf32>, vector<8x128xf32>, vector<128x128xf32> -> vector<128x128xf32>
    %slice3A_114 = vector.extract_strided_slice %convert_element_type3A_7 {offsets = [0, 27, 0], sizes = [8, 1, 128], strides = [1, 1, 1]} : vector<8x64x128xf32> to vector<8x1x128xf32>
    %squeeze3A_115 = vector.shape_cast %slice3A_114 : vector<8x1x128xf32> to vector<8x128xf32>
    %dot_general3A_116 = arith.constant dense<0.000000e+00> : vector<128x128xf32>
    %dot_general3A_117 = tpu.matmul %get3A_5, %squeeze3A_115, %dot_general3A_116 {dimension_numbers = #tpu.dot_dimension_numbers<[1], [0], [0], [1], [0, 0, 1, 1], [], []>, transpose_lhs_hint = false} : vector<128x8xf32>, vector<8x128xf32>, vector<128x128xf32> -> vector<128x128xf32>
    %slice3A_118 = vector.extract_strided_slice %convert_element_type3A_7 {offsets = [0, 28, 0], sizes = [8, 1, 128], strides = [1, 1, 1]} : vector<8x64x128xf32> to vector<8x1x128xf32>
    %squeeze3A_119 = vector.shape_cast %slice3A_118 : vector<8x1x128xf32> to vector<8x128xf32>
    %dot_general3A_120 = arith.constant dense<0.000000e+00> : vector<128x128xf32>
    %dot_general3A_121 = tpu.matmul %get3A_5, %squeeze3A_119, %dot_general3A_120 {dimension_numbers = #tpu.dot_dimension_numbers<[1], [0], [0], [1], [0, 0, 1, 1], [], []>, transpose_lhs_hint = false} : vector<128x8xf32>, vector<8x128xf32>, vector<128x128xf32> -> vector<128x128xf32>
    %slice3A_122 = vector.extract_strided_slice %convert_element_type3A_7 {offsets = [0, 29, 0], sizes = [8, 1, 128], strides = [1, 1, 1]} : vector<8x64x128xf32> to vector<8x1x128xf32>
    %squeeze3A_123 = vector.shape_cast %slice3A_122 : vector<8x1x128xf32> to vector<8x128xf32>
    %dot_general3A_124 = arith.constant dense<0.000000e+00> : vector<128x128xf32>
    %dot_general3A_125 = tpu.matmul %get3A_5, %squeeze3A_123, %dot_general3A_124 {dimension_numbers = #tpu.dot_dimension_numbers<[1], [0], [0], [1], [0, 0, 1, 1], [], []>, transpose_lhs_hint = false} : vector<128x8xf32>, vector<8x128xf32>, vector<128x128xf32> -> vector<128x128xf32>
    %slice3A_126 = vector.extract_strided_slice %convert_element_type3A_7 {offsets = [0, 30, 0], sizes = [8, 1, 128], strides = [1, 1, 1]} : vector<8x64x128xf32> to vector<8x1x128xf32>
    %squeeze3A_127 = vector.shape_cast %slice3A_126 : vector<8x1x128xf32> to vector<8x128xf32>
    %dot_general3A_128 = arith.constant dense<0.000000e+00> : vector<128x128xf32>
    %dot_general3A_129 = tpu.matmul %get3A_5, %squeeze3A_127, %dot_general3A_128 {dimension_numbers = #tpu.dot_dimension_numbers<[1], [0], [0], [1], [0, 0, 1, 1], [], []>, transpose_lhs_hint = false} : vector<128x8xf32>, vector<8x128xf32>, vector<128x128xf32> -> vector<128x128xf32>
    %slice3A_130 = vector.extract_strided_slice %convert_element_type3A_7 {offsets = [0, 31, 0], sizes = [8, 1, 128], strides = [1, 1, 1]} : vector<8x64x128xf32> to vector<8x1x128xf32>
    %squeeze3A_131 = vector.shape_cast %slice3A_130 : vector<8x1x128xf32> to vector<8x128xf32>
    %dot_general3A_132 = arith.constant dense<0.000000e+00> : vector<128x128xf32>
    %dot_general3A_133 = tpu.matmul %get3A_5, %squeeze3A_131, %dot_general3A_132 {dimension_numbers = #tpu.dot_dimension_numbers<[1], [0], [0], [1], [0, 0, 1, 1], [], []>, transpose_lhs_hint = false} : vector<128x8xf32>, vector<8x128xf32>, vector<128x128xf32> -> vector<128x128xf32>
    %slice3A_134 = vector.extract_strided_slice %convert_element_type3A_7 {offsets = [0, 32, 0], sizes = [8, 1, 128], strides = [1, 1, 1]} : vector<8x64x128xf32> to vector<8x1x128xf32>
    %squeeze3A_135 = vector.shape_cast %slice3A_134 : vector<8x1x128xf32> to vector<8x128xf32>
    %dot_general3A_136 = arith.constant dense<0.000000e+00> : vector<128x128xf32>
    %dot_general3A_137 = tpu.matmul %get3A_5, %squeeze3A_135, %dot_general3A_136 {dimension_numbers = #tpu.dot_dimension_numbers<[1], [0], [0], [1], [0, 0, 1, 1], [], []>, transpose_lhs_hint = false} : vector<128x8xf32>, vector<8x128xf32>, vector<128x128xf32> -> vector<128x128xf32>
    %slice3A_138 = vector.extract_strided_slice %convert_element_type3A_7 {offsets = [0, 33, 0], sizes = [8, 1, 128], strides = [1, 1, 1]} : vector<8x64x128xf32> to vector<8x1x128xf32>
    %squeeze3A_139 = vector.shape_cast %slice3A_138 : vector<8x1x128xf32> to vector<8x128xf32>
    %dot_general3A_140 = arith.constant dense<0.000000e+00> : vector<128x128xf32>
    %dot_general3A_141 = tpu.matmul %get3A_5, %squeeze3A_139, %dot_general3A_140 {dimension_numbers = #tpu.dot_dimension_numbers<[1], [0], [0], [1], [0, 0, 1, 1], [], []>, transpose_lhs_hint = false} : vector<128x8xf32>, vector<8x128xf32>, vector<128x128xf32> -> vector<128x128xf32>
    %slice3A_142 = vector.extract_strided_slice %convert_element_type3A_7 {offsets = [0, 34, 0], sizes = [8, 1, 128], strides = [1, 1, 1]} : vector<8x64x128xf32> to vector<8x1x128xf32>
    %squeeze3A_143 = vector.shape_cast %slice3A_142 : vector<8x1x128xf32> to vector<8x128xf32>
    %dot_general3A_144 = arith.constant dense<0.000000e+00> : vector<128x128xf32>
    %dot_general3A_145 = tpu.matmul %get3A_5, %squeeze3A_143, %dot_general3A_144 {dimension_numbers = #tpu.dot_dimension_numbers<[1], [0], [0], [1], [0, 0, 1, 1], [], []>, transpose_lhs_hint = false} : vector<128x8xf32>, vector<8x128xf32>, vector<128x128xf32> -> vector<128x128xf32>
    %slice3A_146 = vector.extract_strided_slice %convert_element_type3A_7 {offsets = [0, 35, 0], sizes = [8, 1, 128], strides = [1, 1, 1]} : vector<8x64x128xf32> to vector<8x1x128xf32>
    %squeeze3A_147 = vector.shape_cast %slice3A_146 : vector<8x1x128xf32> to vector<8x128xf32>
    %dot_general3A_148 = arith.constant dense<0.000000e+00> : vector<128x128xf32>
    %dot_general3A_149 = tpu.matmul %get3A_5, %squeeze3A_147, %dot_general3A_148 {dimension_numbers = #tpu.dot_dimension_numbers<[1], [0], [0], [1], [0, 0, 1, 1], [], []>, transpose_lhs_hint = false} : vector<128x8xf32>, vector<8x128xf32>, vector<128x128xf32> -> vector<128x128xf32>
    %slice3A_150 = vector.extract_strided_slice %convert_element_type3A_7 {offsets = [0, 36, 0], sizes = [8, 1, 128], strides = [1, 1, 1]} : vector<8x64x128xf32> to vector<8x1x128xf32>
    %squeeze3A_151 = vector.shape_cast %slice3A_150 : vector<8x1x128xf32> to vector<8x128xf32>
    %dot_general3A_152 = arith.constant dense<0.000000e+00> : vector<128x128xf32>
    %dot_general3A_153 = tpu.matmul %get3A_5, %squeeze3A_151, %dot_general3A_152 {dimension_numbers = #tpu.dot_dimension_numbers<[1], [0], [0], [1], [0, 0, 1, 1], [], []>, transpose_lhs_hint = false} : vector<128x8xf32>, vector<8x128xf32>, vector<128x128xf32> -> vector<128x128xf32>
    %slice3A_154 = vector.extract_strided_slice %convert_element_type3A_7 {offsets = [0, 37, 0], sizes = [8, 1, 128], strides = [1, 1, 1]} : vector<8x64x128xf32> to vector<8x1x128xf32>
    %squeeze3A_155 = vector.shape_cast %slice3A_154 : vector<8x1x128xf32> to vector<8x128xf32>
    %dot_general3A_156 = arith.constant dense<0.000000e+00> : vector<128x128xf32>
    %dot_general3A_157 = tpu.matmul %get3A_5, %squeeze3A_155, %dot_general3A_156 {dimension_numbers = #tpu.dot_dimension_numbers<[1], [0], [0], [1], [0, 0, 1, 1], [], []>, transpose_lhs_hint = false} : vector<128x8xf32>, vector<8x128xf32>, vector<128x128xf32> -> vector<128x128xf32>
    %slice3A_158 = vector.extract_strided_slice %convert_element_type3A_7 {offsets = [0, 38, 0], sizes = [8, 1, 128], strides = [1, 1, 1]} : vector<8x64x128xf32> to vector<8x1x128xf32>
    %squeeze3A_159 = vector.shape_cast %slice3A_158 : vector<8x1x128xf32> to vector<8x128xf32>
    %dot_general3A_160 = arith.constant dense<0.000000e+00> : vector<128x128xf32>
    %dot_general3A_161 = tpu.matmul %get3A_5, %squeeze3A_159, %dot_general3A_160 {dimension_numbers = #tpu.dot_dimension_numbers<[1], [0], [0], [1], [0, 0, 1, 1], [], []>, transpose_lhs_hint = false} : vector<128x8xf32>, vector<8x128xf32>, vector<128x128xf32> -> vector<128x128xf32>
    %slice3A_162 = vector.extract_strided_slice %convert_element_type3A_7 {offsets = [0, 39, 0], sizes = [8, 1, 128], strides = [1, 1, 1]} : vector<8x64x128xf32> to vector<8x1x128xf32>
    %squeeze3A_163 = vector.shape_cast %slice3A_162 : vector<8x1x128xf32> to vector<8x128xf32>
    %dot_general3A_164 = arith.constant dense<0.000000e+00> : vector<128x128xf32>
    %dot_general3A_165 = tpu.matmul %get3A_5, %squeeze3A_163, %dot_general3A_164 {dimension_numbers = #tpu.dot_dimension_numbers<[1], [0], [0], [1], [0, 0, 1, 1], [], []>, transpose_lhs_hint = false} : vector<128x8xf32>, vector<8x128xf32>, vector<128x128xf32> -> vector<128x128xf32>
    %slice3A_166 = vector.extract_strided_slice %convert_element_type3A_7 {offsets = [0, 40, 0], sizes = [8, 1, 128], strides = [1, 1, 1]} : vector<8x64x128xf32> to vector<8x1x128xf32>
    %squeeze3A_167 = vector.shape_cast %slice3A_166 : vector<8x1x128xf32> to vector<8x128xf32>
    %dot_general3A_168 = arith.constant dense<0.000000e+00> : vector<128x128xf32>
    %dot_general3A_169 = tpu.matmul %get3A_5, %squeeze3A_167, %dot_general3A_168 {dimension_numbers = #tpu.dot_dimension_numbers<[1], [0], [0], [1], [0, 0, 1, 1], [], []>, transpose_lhs_hint = false} : vector<128x8xf32>, vector<8x128xf32>, vector<128x128xf32> -> vector<128x128xf32>
    %slice3A_170 = vector.extract_strided_slice %convert_element_type3A_7 {offsets = [0, 41, 0], sizes = [8, 1, 128], strides = [1, 1, 1]} : vector<8x64x128xf32> to vector<8x1x128xf32>
    %squeeze3A_171 = vector.shape_cast %slice3A_170 : vector<8x1x128xf32> to vector<8x128xf32>
    %dot_general3A_172 = arith.constant dense<0.000000e+00> : vector<128x128xf32>
    %dot_general3A_173 = tpu.matmul %get3A_5, %squeeze3A_171, %dot_general3A_172 {dimension_numbers = #tpu.dot_dimension_numbers<[1], [0], [0], [1], [0, 0, 1, 1], [], []>, transpose_lhs_hint = false} : vector<128x8xf32>, vector<8x128xf32>, vector<128x128xf32> -> vector<128x128xf32>
    %slice3A_174 = vector.extract_strided_slice %convert_element_type3A_7 {offsets = [0, 42, 0], sizes = [8, 1, 128], strides = [1, 1, 1]} : vector<8x64x128xf32> to vector<8x1x128xf32>
    %squeeze3A_175 = vector.shape_cast %slice3A_174 : vector<8x1x128xf32> to vector<8x128xf32>
    %dot_general3A_176 = arith.constant dense<0.000000e+00> : vector<128x128xf32>
    %dot_general3A_177 = tpu.matmul %get3A_5, %squeeze3A_175, %dot_general3A_176 {dimension_numbers = #tpu.dot_dimension_numbers<[1], [0], [0], [1], [0, 0, 1, 1], [], []>, transpose_lhs_hint = false} : vector<128x8xf32>, vector<8x128xf32>, vector<128x128xf32> -> vector<128x128xf32>
    %slice3A_178 = vector.extract_strided_slice %convert_element_type3A_7 {offsets = [0, 43, 0], sizes = [8, 1, 128], strides = [1, 1, 1]} : vector<8x64x128xf32> to vector<8x1x128xf32>
    %squeeze3A_179 = vector.shape_cast %slice3A_178 : vector<8x1x128xf32> to vector<8x128xf32>
    %dot_general3A_180 = arith.constant dense<0.000000e+00> : vector<128x128xf32>
    %dot_general3A_181 = tpu.matmul %get3A_5, %squeeze3A_179, %dot_general3A_180 {dimension_numbers = #tpu.dot_dimension_numbers<[1], [0], [0], [1], [0, 0, 1, 1], [], []>, transpose_lhs_hint = false} : vector<128x8xf32>, vector<8x128xf32>, vector<128x128xf32> -> vector<128x128xf32>
    %slice3A_182 = vector.extract_strided_slice %convert_element_type3A_7 {offsets = [0, 44, 0], sizes = [8, 1, 128], strides = [1, 1, 1]} : vector<8x64x128xf32> to vector<8x1x128xf32>
    %squeeze3A_183 = vector.shape_cast %slice3A_182 : vector<8x1x128xf32> to vector<8x128xf32>
    %dot_general3A_184 = arith.constant dense<0.000000e+00> : vector<128x128xf32>
    %dot_general3A_185 = tpu.matmul %get3A_5, %squeeze3A_183, %dot_general3A_184 {dimension_numbers = #tpu.dot_dimension_numbers<[1], [0], [0], [1], [0, 0, 1, 1], [], []>, transpose_lhs_hint = false} : vector<128x8xf32>, vector<8x128xf32>, vector<128x128xf32> -> vector<128x128xf32>
    %slice3A_186 = vector.extract_strided_slice %convert_element_type3A_7 {offsets = [0, 45, 0], sizes = [8, 1, 128], strides = [1, 1, 1]} : vector<8x64x128xf32> to vector<8x1x128xf32>
    %squeeze3A_187 = vector.shape_cast %slice3A_186 : vector<8x1x128xf32> to vector<8x128xf32>
    %dot_general3A_188 = arith.constant dense<0.000000e+00> : vector<128x128xf32>
    %dot_general3A_189 = tpu.matmul %get3A_5, %squeeze3A_187, %dot_general3A_188 {dimension_numbers = #tpu.dot_dimension_numbers<[1], [0], [0], [1], [0, 0, 1, 1], [], []>, transpose_lhs_hint = false} : vector<128x8xf32>, vector<8x128xf32>, vector<128x128xf32> -> vector<128x128xf32>
    %slice3A_190 = vector.extract_strided_slice %convert_element_type3A_7 {offsets = [0, 46, 0], sizes = [8, 1, 128], strides = [1, 1, 1]} : vector<8x64x128xf32> to vector<8x1x128xf32>
    %squeeze3A_191 = vector.shape_cast %slice3A_190 : vector<8x1x128xf32> to vector<8x128xf32>
    %dot_general3A_192 = arith.constant dense<0.000000e+00> : vector<128x128xf32>
    %dot_general3A_193 = tpu.matmul %get3A_5, %squeeze3A_191, %dot_general3A_192 {dimension_numbers = #tpu.dot_dimension_numbers<[1], [0], [0], [1], [0, 0, 1, 1], [], []>, transpose_lhs_hint = false} : vector<128x8xf32>, vector<8x128xf32>, vector<128x128xf32> -> vector<128x128xf32>
    %slice3A_194 = vector.extract_strided_slice %convert_element_type3A_7 {offsets = [0, 47, 0], sizes = [8, 1, 128], strides = [1, 1, 1]} : vector<8x64x128xf32> to vector<8x1x128xf32>
    %squeeze3A_195 = vector.shape_cast %slice3A_194 : vector<8x1x128xf32> to vector<8x128xf32>
    %dot_general3A_196 = arith.constant dense<0.000000e+00> : vector<128x128xf32>
    %dot_general3A_197 = tpu.matmul %get3A_5, %squeeze3A_195, %dot_general3A_196 {dimension_numbers = #tpu.dot_dimension_numbers<[1], [0], [0], [1], [0, 0, 1, 1], [], []>, transpose_lhs_hint = false} : vector<128x8xf32>, vector<8x128xf32>, vector<128x128xf32> -> vector<128x128xf32>
    %slice3A_198 = vector.extract_strided_slice %convert_element_type3A_7 {offsets = [0, 48, 0], sizes = [8, 1, 128], strides = [1, 1, 1]} : vector<8x64x128xf32> to vector<8x1x128xf32>
    %squeeze3A_199 = vector.shape_cast %slice3A_198 : vector<8x1x128xf32> to vector<8x128xf32>
    %dot_general3A_200 = arith.constant dense<0.000000e+00> : vector<128x128xf32>
    %dot_general3A_201 = tpu.matmul %get3A_5, %squeeze3A_199, %dot_general3A_200 {dimension_numbers = #tpu.dot_dimension_numbers<[1], [0], [0], [1], [0, 0, 1, 1], [], []>, transpose_lhs_hint = false} : vector<128x8xf32>, vector<8x128xf32>, vector<128x128xf32> -> vector<128x128xf32>
    %slice3A_202 = vector.extract_strided_slice %convert_element_type3A_7 {offsets = [0, 49, 0], sizes = [8, 1, 128], strides = [1, 1, 1]} : vector<8x64x128xf32> to vector<8x1x128xf32>
    %squeeze3A_203 = vector.shape_cast %slice3A_202 : vector<8x1x128xf32> to vector<8x128xf32>
    %dot_general3A_204 = arith.constant dense<0.000000e+00> : vector<128x128xf32>
    %dot_general3A_205 = tpu.matmul %get3A_5, %squeeze3A_203, %dot_general3A_204 {dimension_numbers = #tpu.dot_dimension_numbers<[1], [0], [0], [1], [0, 0, 1, 1], [], []>, transpose_lhs_hint = false} : vector<128x8xf32>, vector<8x128xf32>, vector<128x128xf32> -> vector<128x128xf32>
    %slice3A_206 = vector.extract_strided_slice %convert_element_type3A_7 {offsets = [0, 50, 0], sizes = [8, 1, 128], strides = [1, 1, 1]} : vector<8x64x128xf32> to vector<8x1x128xf32>
    %squeeze3A_207 = vector.shape_cast %slice3A_206 : vector<8x1x128xf32> to vector<8x128xf32>
    %dot_general3A_208 = arith.constant dense<0.000000e+00> : vector<128x128xf32>
    %dot_general3A_209 = tpu.matmul %get3A_5, %squeeze3A_207, %dot_general3A_208 {dimension_numbers = #tpu.dot_dimension_numbers<[1], [0], [0], [1], [0, 0, 1, 1], [], []>, transpose_lhs_hint = false} : vector<128x8xf32>, vector<8x128xf32>, vector<128x128xf32> -> vector<128x128xf32>
    %slice3A_210 = vector.extract_strided_slice %convert_element_type3A_7 {offsets = [0, 51, 0], sizes = [8, 1, 128], strides = [1, 1, 1]} : vector<8x64x128xf32> to vector<8x1x128xf32>
    %squeeze3A_211 = vector.shape_cast %slice3A_210 : vector<8x1x128xf32> to vector<8x128xf32>
    %dot_general3A_212 = arith.constant dense<0.000000e+00> : vector<128x128xf32>
    %dot_general3A_213 = tpu.matmul %get3A_5, %squeeze3A_211, %dot_general3A_212 {dimension_numbers = #tpu.dot_dimension_numbers<[1], [0], [0], [1], [0, 0, 1, 1], [], []>, transpose_lhs_hint = false} : vector<128x8xf32>, vector<8x128xf32>, vector<128x128xf32> -> vector<128x128xf32>
    %slice3A_214 = vector.extract_strided_slice %convert_element_type3A_7 {offsets = [0, 52, 0], sizes = [8, 1, 128], strides = [1, 1, 1]} : vector<8x64x128xf32> to vector<8x1x128xf32>
    %squeeze3A_215 = vector.shape_cast %slice3A_214 : vector<8x1x128xf32> to vector<8x128xf32>
    %dot_general3A_216 = arith.constant dense<0.000000e+00> : vector<128x128xf32>
    %dot_general3A_217 = tpu.matmul %get3A_5, %squeeze3A_215, %dot_general3A_216 {dimension_numbers = #tpu.dot_dimension_numbers<[1], [0], [0], [1], [0, 0, 1, 1], [], []>, transpose_lhs_hint = false} : vector<128x8xf32>, vector<8x128xf32>, vector<128x128xf32> -> vector<128x128xf32>
    %slice3A_218 = vector.extract_strided_slice %convert_element_type3A_7 {offsets = [0, 53, 0], sizes = [8, 1, 128], strides = [1, 1, 1]} : vector<8x64x128xf32> to vector<8x1x128xf32>
    %squeeze3A_219 = vector.shape_cast %slice3A_218 : vector<8x1x128xf32> to vector<8x128xf32>
    %dot_general3A_220 = arith.constant dense<0.000000e+00> : vector<128x128xf32>
    %dot_general3A_221 = tpu.matmul %get3A_5, %squeeze3A_219, %dot_general3A_220 {dimension_numbers = #tpu.dot_dimension_numbers<[1], [0], [0], [1], [0, 0, 1, 1], [], []>, transpose_lhs_hint = false} : vector<128x8xf32>, vector<8x128xf32>, vector<128x128xf32> -> vector<128x128xf32>
    %slice3A_222 = vector.extract_strided_slice %convert_element_type3A_7 {offsets = [0, 54, 0], sizes = [8, 1, 128], strides = [1, 1, 1]} : vector<8x64x128xf32> to vector<8x1x128xf32>
    %squeeze3A_223 = vector.shape_cast %slice3A_222 : vector<8x1x128xf32> to vector<8x128xf32>
    %dot_general3A_224 = arith.constant dense<0.000000e+00> : vector<128x128xf32>
    %dot_general3A_225 = tpu.matmul %get3A_5, %squeeze3A_223, %dot_general3A_224 {dimension_numbers = #tpu.dot_dimension_numbers<[1], [0], [0], [1], [0, 0, 1, 1], [], []>, transpose_lhs_hint = false} : vector<128x8xf32>, vector<8x128xf32>, vector<128x128xf32> -> vector<128x128xf32>
    %slice3A_226 = vector.extract_strided_slice %convert_element_type3A_7 {offsets = [0, 55, 0], sizes = [8, 1, 128], strides = [1, 1, 1]} : vector<8x64x128xf32> to vector<8x1x128xf32>
    %squeeze3A_227 = vector.shape_cast %slice3A_226 : vector<8x1x128xf32> to vector<8x128xf32>
    %dot_general3A_228 = arith.constant dense<0.000000e+00> : vector<128x128xf32>
    %dot_general3A_229 = tpu.matmul %get3A_5, %squeeze3A_227, %dot_general3A_228 {dimension_numbers = #tpu.dot_dimension_numbers<[1], [0], [0], [1], [0, 0, 1, 1], [], []>, transpose_lhs_hint = false} : vector<128x8xf32>, vector<8x128xf32>, vector<128x128xf32> -> vector<128x128xf32>
    %slice3A_230 = vector.extract_strided_slice %convert_element_type3A_7 {offsets = [0, 56, 0], sizes = [8, 1, 128], strides = [1, 1, 1]} : vector<8x64x128xf32> to vector<8x1x128xf32>
    %squeeze3A_231 = vector.shape_cast %slice3A_230 : vector<8x1x128xf32> to vector<8x128xf32>
    %dot_general3A_232 = arith.constant dense<0.000000e+00> : vector<128x128xf32>
    %dot_general3A_233 = tpu.matmul %get3A_5, %squeeze3A_231, %dot_general3A_232 {dimension_numbers = #tpu.dot_dimension_numbers<[1], [0], [0], [1], [0, 0, 1, 1], [], []>, transpose_lhs_hint = false} : vector<128x8xf32>, vector<8x128xf32>, vector<128x128xf32> -> vector<128x128xf32>
    %slice3A_234 = vector.extract_strided_slice %convert_element_type3A_7 {offsets = [0, 57, 0], sizes = [8, 1, 128], strides = [1, 1, 1]} : vector<8x64x128xf32> to vector<8x1x128xf32>
    %squeeze3A_235 = vector.shape_cast %slice3A_234 : vector<8x1x128xf32> to vector<8x128xf32>
    %dot_general3A_236 = arith.constant dense<0.000000e+00> : vector<128x128xf32>
    %dot_general3A_237 = tpu.matmul %get3A_5, %squeeze3A_235, %dot_general3A_236 {dimension_numbers = #tpu.dot_dimension_numbers<[1], [0], [0], [1], [0, 0, 1, 1], [], []>, transpose_lhs_hint = false} : vector<128x8xf32>, vector<8x128xf32>, vector<128x128xf32> -> vector<128x128xf32>
    %slice3A_238 = vector.extract_strided_slice %convert_element_type3A_7 {offsets = [0, 58, 0], sizes = [8, 1, 128], strides = [1, 1, 1]} : vector<8x64x128xf32> to vector<8x1x128xf32>
    %squeeze3A_239 = vector.shape_cast %slice3A_238 : vector<8x1x128xf32> to vector<8x128xf32>
    %dot_general3A_240 = arith.constant dense<0.000000e+00> : vector<128x128xf32>
    %dot_general3A_241 = tpu.matmul %get3A_5, %squeeze3A_239, %dot_general3A_240 {dimension_numbers = #tpu.dot_dimension_numbers<[1], [0], [0], [1], [0, 0, 1, 1], [], []>, transpose_lhs_hint = false} : vector<128x8xf32>, vector<8x128xf32>, vector<128x128xf32> -> vector<128x128xf32>
    %slice3A_242 = vector.extract_strided_slice %convert_element_type3A_7 {offsets = [0, 59, 0], sizes = [8, 1, 128], strides = [1, 1, 1]} : vector<8x64x128xf32> to vector<8x1x128xf32>
    %squeeze3A_243 = vector.shape_cast %slice3A_242 : vector<8x1x128xf32> to vector<8x128xf32>
    %dot_general3A_244 = arith.constant dense<0.000000e+00> : vector<128x128xf32>
    %dot_general3A_245 = tpu.matmul %get3A_5, %squeeze3A_243, %dot_general3A_244 {dimension_numbers = #tpu.dot_dimension_numbers<[1], [0], [0], [1], [0, 0, 1, 1], [], []>, transpose_lhs_hint = false} : vector<128x8xf32>, vector<8x128xf32>, vector<128x128xf32> -> vector<128x128xf32>
    %slice3A_246 = vector.extract_strided_slice %convert_element_type3A_7 {offsets = [0, 60, 0], sizes = [8, 1, 128], strides = [1, 1, 1]} : vector<8x64x128xf32> to vector<8x1x128xf32>
    %squeeze3A_247 = vector.shape_cast %slice3A_246 : vector<8x1x128xf32> to vector<8x128xf32>
    %dot_general3A_248 = arith.constant dense<0.000000e+00> : vector<128x128xf32>
    %dot_general3A_249 = tpu.matmul %get3A_5, %squeeze3A_247, %dot_general3A_248 {dimension_numbers = #tpu.dot_dimension_numbers<[1], [0], [0], [1], [0, 0, 1, 1], [], []>, transpose_lhs_hint = false} : vector<128x8xf32>, vector<8x128xf32>, vector<128x128xf32> -> vector<128x128xf32>
    %slice3A_250 = vector.extract_strided_slice %convert_element_type3A_7 {offsets = [0, 61, 0], sizes = [8, 1, 128], strides = [1, 1, 1]} : vector<8x64x128xf32> to vector<8x1x128xf32>
    %squeeze3A_251 = vector.shape_cast %slice3A_250 : vector<8x1x128xf32> to vector<8x128xf32>
    %dot_general3A_252 = arith.constant dense<0.000000e+00> : vector<128x128xf32>
    %dot_general3A_253 = tpu.matmul %get3A_5, %squeeze3A_251, %dot_general3A_252 {dimension_numbers = #tpu.dot_dimension_numbers<[1], [0], [0], [1], [0, 0, 1, 1], [], []>, transpose_lhs_hint = false} : vector<128x8xf32>, vector<8x128xf32>, vector<128x128xf32> -> vector<128x128xf32>
    %slice3A_254 = vector.extract_strided_slice %convert_element_type3A_7 {offsets = [0, 62, 0], sizes = [8, 1, 128], strides = [1, 1, 1]} : vector<8x64x128xf32> to vector<8x1x128xf32>
    %squeeze3A_255 = vector.shape_cast %slice3A_254 : vector<8x1x128xf32> to vector<8x128xf32>
    %dot_general3A_256 = arith.constant dense<0.000000e+00> : vector<128x128xf32>
    %dot_general3A_257 = tpu.matmul %get3A_5, %squeeze3A_255, %dot_general3A_256 {dimension_numbers = #tpu.dot_dimension_numbers<[1], [0], [0], [1], [0, 0, 1, 1], [], []>, transpose_lhs_hint = false} : vector<128x8xf32>, vector<8x128xf32>, vector<128x128xf32> -> vector<128x128xf32>
    %slice3A_258 = vector.extract_strided_slice %convert_element_type3A_7 {offsets = [0, 63, 0], sizes = [8, 1, 128], strides = [1, 1, 1]} : vector<8x64x128xf32> to vector<8x1x128xf32>
    %squeeze3A_259 = vector.shape_cast %slice3A_258 : vector<8x1x128xf32> to vector<8x128xf32>
    %dot_general3A_260 = arith.constant dense<0.000000e+00> : vector<128x128xf32>
    %dot_general3A_261 = tpu.matmul %get3A_5, %squeeze3A_259, %dot_general3A_260 {dimension_numbers = #tpu.dot_dimension_numbers<[1], [0], [0], [1], [0, 0, 1, 1], [], []>, transpose_lhs_hint = false} : vector<128x8xf32>, vector<8x128xf32>, vector<128x128xf32> -> vector<128x128xf32>
    %stack3A = vector.shape_cast %dot_general3A_9 : vector<128x128xf32> to vector<1x128x128xf32>
    %stack3A_262 = vector.shape_cast %dot_general3A_13 : vector<128x128xf32> to vector<1x128x128xf32>
    %stack3A_263 = vector.shape_cast %dot_general3A_17 : vector<128x128xf32> to vector<1x128x128xf32>
    %stack3A_264 = vector.shape_cast %dot_general3A_21 : vector<128x128xf32> to vector<1x128x128xf32>
    %stack3A_265 = vector.shape_cast %dot_general3A_25 : vector<128x128xf32> to vector<1x128x128xf32>
    %stack3A_266 = vector.shape_cast %dot_general3A_29 : vector<128x128xf32> to vector<1x128x128xf32>
    %stack3A_267 = vector.shape_cast %dot_general3A_33 : vector<128x128xf32> to vector<1x128x128xf32>
    %stack3A_268 = vector.shape_cast %dot_general3A_37 : vector<128x128xf32> to vector<1x128x128xf32>
    %stack3A_269 = vector.shape_cast %dot_general3A_41 : vector<128x128xf32> to vector<1x128x128xf32>
    %stack3A_270 = vector.shape_cast %dot_general3A_45 : vector<128x128xf32> to vector<1x128x128xf32>
    %stack3A_271 = vector.shape_cast %dot_general3A_49 : vector<128x128xf32> to vector<1x128x128xf32>
    %stack3A_272 = vector.shape_cast %dot_general3A_53 : vector<128x128xf32> to vector<1x128x128xf32>
    %stack3A_273 = vector.shape_cast %dot_general3A_57 : vector<128x128xf32> to vector<1x128x128xf32>
    %stack3A_274 = vector.shape_cast %dot_general3A_61 : vector<128x128xf32> to vector<1x128x128xf32>
    %stack3A_275 = vector.shape_cast %dot_general3A_65 : vector<128x128xf32> to vector<1x128x128xf32>
    %stack3A_276 = vector.shape_cast %dot_general3A_69 : vector<128x128xf32> to vector<1x128x128xf32>
    %stack3A_277 = vector.shape_cast %dot_general3A_73 : vector<128x128xf32> to vector<1x128x128xf32>
    %stack3A_278 = vector.shape_cast %dot_general3A_77 : vector<128x128xf32> to vector<1x128x128xf32>
    %stack3A_279 = vector.shape_cast %dot_general3A_81 : vector<128x128xf32> to vector<1x128x128xf32>
    %stack3A_280 = vector.shape_cast %dot_general3A_85 : vector<128x128xf32> to vector<1x128x128xf32>
    %stack3A_281 = vector.shape_cast %dot_general3A_89 : vector<128x128xf32> to vector<1x128x128xf32>
    %stack3A_282 = vector.shape_cast %dot_general3A_93 : vector<128x128xf32> to vector<1x128x128xf32>
    %stack3A_283 = vector.shape_cast %dot_general3A_97 : vector<128x128xf32> to vector<1x128x128xf32>
    %stack3A_284 = vector.shape_cast %dot_general3A_101 : vector<128x128xf32> to vector<1x128x128xf32>
    %stack3A_285 = vector.shape_cast %dot_general3A_105 : vector<128x128xf32> to vector<1x128x128xf32>
    %stack3A_286 = vector.shape_cast %dot_general3A_109 : vector<128x128xf32> to vector<1x128x128xf32>
    %stack3A_287 = vector.shape_cast %dot_general3A_113 : vector<128x128xf32> to vector<1x128x128xf32>
    %stack3A_288 = vector.shape_cast %dot_general3A_117 : vector<128x128xf32> to vector<1x128x128xf32>
    %stack3A_289 = vector.shape_cast %dot_general3A_121 : vector<128x128xf32> to vector<1x128x128xf32>
    %stack3A_290 = vector.shape_cast %dot_general3A_125 : vector<128x128xf32> to vector<1x128x128xf32>
    %stack3A_291 = vector.shape_cast %dot_general3A_129 : vector<128x128xf32> to vector<1x128x128xf32>
    %stack3A_292 = vector.shape_cast %dot_general3A_133 : vector<128x128xf32> to vector<1x128x128xf32>
    %stack3A_293 = vector.shape_cast %dot_general3A_137 : vector<128x128xf32> to vector<1x128x128xf32>
    %stack3A_294 = vector.shape_cast %dot_general3A_141 : vector<128x128xf32> to vector<1x128x128xf32>
    %stack3A_295 = vector.shape_cast %dot_general3A_145 : vector<128x128xf32> to vector<1x128x128xf32>
    %stack3A_296 = vector.shape_cast %dot_general3A_149 : vector<128x128xf32> to vector<1x128x128xf32>
    %stack3A_297 = vector.shape_cast %dot_general3A_153 : vector<128x128xf32> to vector<1x128x128xf32>
    %stack3A_298 = vector.shape_cast %dot_general3A_157 : vector<128x128xf32> to vector<1x128x128xf32>
    %stack3A_299 = vector.shape_cast %dot_general3A_161 : vector<128x128xf32> to vector<1x128x128xf32>
    %stack3A_300 = vector.shape_cast %dot_general3A_165 : vector<128x128xf32> to vector<1x128x128xf32>
    %stack3A_301 = vector.shape_cast %dot_general3A_169 : vector<128x128xf32> to vector<1x128x128xf32>
    %stack3A_302 = vector.shape_cast %dot_general3A_173 : vector<128x128xf32> to vector<1x128x128xf32>
    %stack3A_303 = vector.shape_cast %dot_general3A_177 : vector<128x128xf32> to vector<1x128x128xf32>
    %stack3A_304 = vector.shape_cast %dot_general3A_181 : vector<128x128xf32> to vector<1x128x128xf32>
    %stack3A_305 = vector.shape_cast %dot_general3A_185 : vector<128x128xf32> to vector<1x128x128xf32>
    %stack3A_306 = vector.shape_cast %dot_general3A_189 : vector<128x128xf32> to vector<1x128x128xf32>
    %stack3A_307 = vector.shape_cast %dot_general3A_193 : vector<128x128xf32> to vector<1x128x128xf32>
    %stack3A_308 = vector.shape_cast %dot_general3A_197 : vector<128x128xf32> to vector<1x128x128xf32>
    %stack3A_309 = vector.shape_cast %dot_general3A_201 : vector<128x128xf32> to vector<1x128x128xf32>
    %stack3A_310 = vector.shape_cast %dot_general3A_205 : vector<128x128xf32> to vector<1x128x128xf32>
    %stack3A_311 = vector.shape_cast %dot_general3A_209 : vector<128x128xf32> to vector<1x128x128xf32>
    %stack3A_312 = vector.shape_cast %dot_general3A_213 : vector<128x128xf32> to vector<1x128x128xf32>
    %stack3A_313 = vector.shape_cast %dot_general3A_217 : vector<128x128xf32> to vector<1x128x128xf32>
    %stack3A_314 = vector.shape_cast %dot_general3A_221 : vector<128x128xf32> to vector<1x128x128xf32>
    %stack3A_315 = vector.shape_cast %dot_general3A_225 : vector<128x128xf32> to vector<1x128x128xf32>
    %stack3A_316 = vector.shape_cast %dot_general3A_229 : vector<128x128xf32> to vector<1x128x128xf32>
    %stack3A_317 = vector.shape_cast %dot_general3A_233 : vector<128x128xf32> to vector<1x128x128xf32>
    %stack3A_318 = vector.shape_cast %dot_general3A_237 : vector<128x128xf32> to vector<1x128x128xf32>
    %stack3A_319 = vector.shape_cast %dot_general3A_241 : vector<128x128xf32> to vector<1x128x128xf32>
    %stack3A_320 = vector.shape_cast %dot_general3A_245 : vector<128x128xf32> to vector<1x128x128xf32>
    %stack3A_321 = vector.shape_cast %dot_general3A_249 : vector<128x128xf32> to vector<1x128x128xf32>
    %stack3A_322 = vector.shape_cast %dot_general3A_253 : vector<128x128xf32> to vector<1x128x128xf32>
    %stack3A_323 = vector.shape_cast %dot_general3A_257 : vector<128x128xf32> to vector<1x128x128xf32>
    %stack3A_324 = vector.shape_cast %dot_general3A_261 : vector<128x128xf32> to vector<1x128x128xf32>
    %stack3A_325 = tpu.concatenate %stack3A, %stack3A_262, %stack3A_263, %stack3A_264, %stack3A_265, %stack3A_266, %stack3A_267, %stack3A_268, %stack3A_269, %stack3A_270, %stack3A_271, %stack3A_272, %stack3A_273, %stack3A_274, %stack3A_275, %stack3A_276, %stack3A_277, %stack3A_278, %stack3A_279, %stack3A_280, %stack3A_281, %stack3A_282, %stack3A_283, %stack3A_284, %stack3A_285, %stack3A_286, %stack3A_287, %stack3A_288, %stack3A_289, %stack3A_290, %stack3A_291, %stack3A_292, %stack3A_293, %stack3A_294, %stack3A_295, %stack3A_296, %stack3A_297, %stack3A_298, %stack3A_299, %stack3A_300, %stack3A_301, %stack3A_302, %stack3A_303, %stack3A_304, %stack3A_305, %stack3A_306, %stack3A_307, %stack3A_308, %stack3A_309, %stack3A_310, %stack3A_311, %stack3A_312, %stack3A_313, %stack3A_314, %stack3A_315, %stack3A_316, %stack3A_317, %stack3A_318, %stack3A_319, %stack3A_320, %stack3A_321, %stack3A_322, %stack3A_323, %stack3A_324 in 0 : vector<1x128x128xf32>, vector<1x128x128xf32>, vector<1x128x128xf32>, vector<1x128x128xf32>, vector<1x128x128xf32>, vector<1x128x128xf32>, vector<1x128x128xf32>, vector<1x128x128xf32>, vector<1x128x128xf32>, vector<1x128x128xf32>, vector<1x128x128xf32>, vector<1x128x128xf32>, vector<1x128x128xf32>, vector<1x128x128xf32>, vector<1x128x128xf32>, vector<1x128x128xf32>, vector<1x128x128xf32>, vector<1x128x128xf32>, vector<1x128x128xf32>, vector<1x128x128xf32>, vector<1x128x128xf32>, vector<1x128x128xf32>, vector<1x128x128xf32>, vector<1x128x128xf32>, vector<1x128x128xf32>, vector<1x128x128xf32>, vector<1x128x128xf32>, vector<1x128x128xf32>, vector<1x128x128xf32>, vector<1x128x128xf32>, vector<1x128x128xf32>, vector<1x128x128xf32>, vector<1x128x128xf32>, vector<1x128x128xf32>, vector<1x128x128xf32>, vector<1x128x128xf32>, vector<1x128x128xf32>, vector<1x128x128xf32>, vector<1x128x128xf32>, vector<1x128x128xf32>, vector<1x128x128xf32>, vector<1x128x128xf32>, vector<1x128x128xf32>, vector<1x128x128xf32>, vector<1x128x128xf32>, vector<1x128x128xf32>, vector<1x128x128xf32>, vector<1x128x128xf32>, vector<1x128x128xf32>, vector<1x128x128xf32>, vector<1x128x128xf32>, vector<1x128x128xf32>, vector<1x128x128xf32>, vector<1x128x128xf32>, vector<1x128x128xf32>, vector<1x128x128xf32>, vector<1x128x128xf32>, vector<1x128x128xf32>, vector<1x128x128xf32>, vector<1x128x128xf32>, vector<1x128x128xf32>, vector<1x128x128xf32>, vector<1x128x128xf32>, vector<1x128x128xf32> -> vector<64x128x128xf32>
    %broadcast_in_dim3A_326 = vector.shape_cast %stack3A_325 : vector<64x128x128xf32> to vector<1x64x128x128xf32>
    %get3A_327 = arith.constant 0 : index
    %get3A_328 = arith.constant 0 : index
    %get3A_329 = arith.constant 0 : index
    %get3A_330 = vector.load %arg3[%get3A_327, %get3A_328, %get3A_329] : memref<1x128x128xf32, #tpu.memory_space<vmem>>, vector<1x128x128xf32>
    %broadcast_in_dim3A_331 = vector.shape_cast %get3A_330 : vector<1x128x128xf32> to vector<1x1x128x128xf32>
    %get3A_332 = arith.constant 0 : index
    %get3A_333 = arith.constant 0 : index
    %get3A_334 = arith.constant 0 : index
    %get3A_335 = vector.load %arg4[%get3A_332, %get3A_333, %get3A_334] : memref<64x128x128xf32, #tpu.memory_space<vmem>>, vector<64x128x128xf32>
    %broadcast_in_dim3A_336 = vector.shape_cast %get3A_335 : vector<64x128x128xf32> to vector<1x64x128x128xf32>
    %add3A = vector.broadcast %broadcast_in_dim3A_331 : vector<1x1x128x128xf32> to vector<1x64x128x128xf32>
    %add3A_337 = arith.addf %add3A, %broadcast_in_dim3A_336 : vector<1x64x128x128xf32>
    %add3A_338 = arith.addf %add3A_337, %broadcast_in_dim3A_326 : vector<1x64x128x128xf32>
    %slice3A_339 = vector.extract_strided_slice %add3A_338 {offsets = [0, 0, 0, 0], sizes = [1, 64, 96, 128], strides = [1, 1, 1, 1]} : vector<1x64x128x128xf32> to vector<1x64x96x128xf32>
    %integer_pow3A = arith.mulf %slice3A_339, %slice3A_339 : vector<1x64x96x128xf32>
    %integer_pow3A_340 = arith.mulf %slice3A_339, %integer_pow3A : vector<1x64x96x128xf32>
    %mul3A = arith.constant 4.471500e-02 : f32
    %mul3A_341 = vector.broadcast %mul3A : f32 to vector<1x64x96x128xf32>
    %mul3A_342 = arith.mulf %mul3A_341, %integer_pow3A_340 : vector<1x64x96x128xf32>
    %add3A_343 = arith.addf %slice3A_339, %mul3A_342 : vector<1x64x96x128xf32>
    %mul3A_344 = arith.constant 0.797884583 : f32
    %mul3A_345 = vector.broadcast %mul3A_344 : f32 to vector<1x64x96x128xf32>
    %mul3A_346 = arith.mulf %mul3A_345, %add3A_343 : vector<1x64x96x128xf32>
    %tanh3A = math.tanh %mul3A_346 : vector<1x64x96x128xf32>
    %add3A_347 = arith.constant 1.000000e+00 : f32
    %add3A_348 = vector.broadcast %add3A_347 : f32 to vector<1x64x96x128xf32>
    %add3A_349 = arith.addf %add3A_348, %tanh3A : vector<1x64x96x128xf32>
    %mul3A_350 = arith.constant 5.000000e-01 : f32
    %mul3A_351 = vector.broadcast %mul3A_350 : f32 to vector<1x64x96x128xf32>
    %mul3A_352 = arith.mulf %mul3A_351, %add3A_349 : vector<1x64x96x128xf32>
    %mul3A_353 = arith.mulf %slice3A_339, %mul3A_352 : vector<1x64x96x128xf32>
    %get3A_354 = arith.constant 0 : index
    %get3A_355 = arith.constant 0 : index
    %get3A_356 = arith.constant 0 : index
    %get3A_357 = vector.load %arg2[%get3A_354, %get3A_355, %get3A_356] : memref<1x64x128xf32, #tpu.memory_space<vmem>>, vector<1x64x128xf32>
    %broadcast_in_dim3A_358 = vector.shape_cast %get3A_357 : vector<1x64x128xf32> to vector<1x64x1x128xf32>
    %slice3A_359 = vector.extract_strided_slice %mul3A_353 {offsets = [0, 0, 0, 0], sizes = [1, 64, 64, 128], strides = [1, 1, 1, 1]} : vector<1x64x96x128xf32> to vector<1x64x64x128xf32>
    %mul3A_360 = vector.broadcast %broadcast_in_dim3A_358 : vector<1x64x1x128xf32> to vector<1x64x64x128xf32>
    %mul3A_361 = arith.mulf %slice3A_359, %mul3A_360 : vector<1x64x64x128xf32>
    %reduce_sum3A = arith.constant dense<0.000000e+00> : vector<1x64x128xf32>
    %reduce_sum3A_362 = vector.multi_reduction <add>, %mul3A_361, %reduce_sum3A [1] : vector<1x64x64x128xf32> to vector<1x64x128xf32>
    %swap3A = arith.constant 0 : index
    %swap3A_363 = arith.constant 0 : index
    %swap3A_364 = arith.constant 0 : index
    %swap3A_365 = vector.load %arg7[%swap3A, %swap3A_363, %swap3A_364] : memref<1x64x128xf32, #tpu.memory_space<vmem>>, vector<1x64x128xf32>
    tpu.vector_store %arg7[%swap3A, %swap3A_363, %swap3A_364], %reduce_sum3A_362 {strides = array<i32>} : memref<1x64x128xf32, #tpu.memory_space<vmem>>, vector<1x64x128xf32>,
    %slice3A_366 = vector.extract_strided_slice %mul3A_353 {offsets = [0, 0, 64, 0], sizes = [1, 64, 32, 128], strides = [1, 1, 1, 1]} : vector<1x64x96x128xf32> to vector<1x64x32x128xf32>
    %get3A_367 = arith.constant 0 : index
    %get3A_368 = arith.constant 0 : index
    %get3A_369 = vector.load %arg6[%get3A_367, %get3A_368] : memref<32x128xf32, #tpu.memory_space<vmem>>, vector<32x128xf32>
    %broadcast_in_dim3A_370 = vector.shape_cast %get3A_369 : vector<32x128xf32> to vector<1x1x32x128xf32>
    %add3A_371 = vector.broadcast %broadcast_in_dim3A_370 : vector<1x1x32x128xf32> to vector<1x64x32x128xf32>
    %add3A_372 = arith.addf %slice3A_366, %add3A_371 : vector<1x64x32x128xf32>
    %slice3A_373 = vector.extract_strided_slice %add3A_338 {offsets = [0, 0, 96, 0], sizes = [1, 64, 32, 128], strides = [1, 1, 1, 1]} : vector<1x64x128x128xf32> to vector<1x64x32x128xf32>
    %add3A_374 = arith.addf %add3A_372, %slice3A_373 : vector<1x64x32x128xf32>
    %mul3A_375 = vector.broadcast %broadcast_in_dim3A_358 : vector<1x64x1x128xf32> to vector<1x64x32x128xf32>
    %mul3A_376 = arith.mulf %add3A_374, %mul3A_375 : vector<1x64x32x128xf32>
    %swap3A_377 = arith.constant 0 : index
    %swap3A_378 = arith.constant 0 : index
    %swap3A_379 = arith.constant 0 : index
    %swap3A_380 = arith.constant 0 : index
    %swap3A_381 = vector.load %arg8[%swap3A_377, %swap3A_378, %swap3A_379, %swap3A_380] : memref<1x64x32x128xf32, #tpu.memory_space<vmem>>, vector<1x64x32x128xf32>
    tpu.vector_store %arg8[%swap3A_377, %swap3A_378, %swap3A_379, %swap3A_380], %mul3A_376 {strides = array<i32>} : memref<1x64x32x128xf32, #tpu.memory_space<vmem>>, vector<1x64x32x128xf32>,
    return
  }
  func.func @transform_0(%arg0: i32) -> (i32, i32, i32) {
    %c0_i32 = arith.constant 0 : i32
    %c0_i32_0 = arith.constant 0 : i32
    %c0_i32_1 = arith.constant 0 : i32
    return %arg0, %c0_i32, %c0_i32_0 : i32, i32, i32
  }
  func.func @transform_1(%arg0: i32) -> (i32, i32, i32) {
    %c0_i32 = arith.constant 0 : i32
    %c0_i32_0 = arith.constant 0 : i32
    %c0_i32_1 = arith.constant 0 : i32
    return %arg0, %c0_i32, %c0_i32_0 : i32, i32, i32
  }
  func.func @transform_2(%arg0: i32) -> (i32, i32, i32) {
    %c0_i32 = arith.constant 0 : i32
    %c0_i32_0 = arith.constant 0 : i32
    %c0_i32_1 = arith.constant 0 : i32
    return %arg0, %c0_i32, %c0_i32_0 : i32, i32, i32
  }
  func.func @transform_3(%arg0: i32) -> (i32, i32, i32) {
    %c0_i32 = arith.constant 0 : i32
    %c0_i32_0 = arith.constant 0 : i32
    %c0_i32_1 = arith.constant 0 : i32
    %c0_i32_2 = arith.constant 0 : i32
    return %c0_i32, %c0_i32_0, %c0_i32_1 : i32, i32, i32
  }
  func.func @transform_4(%arg0: i32) -> (i32, i32) {
    %c0_i32 = arith.constant 0 : i32
    %c0_i32_0 = arith.constant 0 : i32
    %c0_i32_1 = arith.constant 0 : i32
    return %c0_i32, %c0_i32_0 : i32, i32
  }
  func.func @transform_5(%arg0: i32) -> (i32, i32) {
    %c0_i32 = arith.constant 0 : i32
    %c0_i32_0 = arith.constant 0 : i32
    %c0_i32_1 = arith.constant 0 : i32
    return %c0_i32, %c0_i32_0 : i32, i32
  }
  func.func @transform_6(%arg0: i32) -> (i32, i32, i32) {
    %c0_i32 = arith.constant 0 : i32
    %c0_i32_0 = arith.constant 0 : i32
    %c0_i32_1 = arith.constant 0 : i32
    return %arg0, %c0_i32, %c0_i32_0 : i32, i32, i32
  }
  func.func @transform_7(%arg0: i32) -> (i32, i32, i32, i32) {
    %c0_i32 = arith.constant 0 : i32
    %c0_i32_0 = arith.constant 0 : i32
    %c0_i32_1 = arith.constant 0 : i32
    %c0_i32_2 = arith.constant 0 : i32
    return %arg0, %c0_i32, %c0_i32_0, %c0_i32_1 : i32, i32, i32, i32
  }
}

module attributes {stable_mosaic.version = 14 : i64} {
  func.func @_node_upd_kernel(%arg0: memref<8192x64xf32, #tpu.memory_space<vmem>>, %arg1: memref<8192x64xf32, #tpu.memory_space<vmem>>, %arg2: memref<8192x1xf32, #tpu.memory_space<vmem>>, %arg3: memref<128x64xf32, #tpu.memory_space<vmem>>, %arg4: memref<1x64xf32, #tpu.memory_space<vmem>>, %arg5: memref<8192x64xf32, #tpu.memory_space<vmem>>) attributes {dimension_semantics = [], scalar_prefetch = 0 : i64, scratch_operands = 0 : i64, tpu.core_type = #tpu.core_type<tc>} {
    %get3A = arith.constant 0 : index
    %get3A_0 = arith.constant 0 : index
    %get3A_1 = vector.load %arg0[%get3A, %get3A_0] : memref<8192x64xf32, #tpu.memory_space<vmem>>, vector<8192x64xf32>
    %get3A_2 = arith.constant 0 : index
    %get3A_3 = arith.constant 0 : index
    %get3A_4 = vector.load %arg1[%get3A_2, %get3A_3] : memref<8192x64xf32, #tpu.memory_space<vmem>>, vector<8192x64xf32>
    %concatenate3A = tpu.concatenate %get3A_1, %get3A_4 in 1 : vector<8192x64xf32>, vector<8192x64xf32> -> vector<8192x128xf32>
    %get3A_5 = arith.constant 0 : index
    %get3A_6 = arith.constant 0 : index
    %get3A_7 = vector.load %arg3[%get3A_5, %get3A_6] : memref<128x64xf32, #tpu.memory_space<vmem>>, vector<128x64xf32>
    %dot_general3A = arith.constant dense<0.000000e+00> : vector<8192x64xf32>
    %dot_general3A_8 = tpu.matmul %concatenate3A, %get3A_7, %dot_general3A {dimension_numbers = #tpu.dot_dimension_numbers<[1], [0], [0], [1], [0, 0, 1, 1], [], []>, transpose_lhs_hint = false} : vector<8192x128xf32>, vector<128x64xf32>, vector<8192x64xf32> -> vector<8192x64xf32>
    %get3A_9 = arith.constant 0 : index
    %get3A_10 = arith.constant 0 : index
    %get3A_11 = vector.load %arg4[%get3A_9, %get3A_10] : memref<1x64xf32, #tpu.memory_space<vmem>>, vector<1x64xf32>
    %add3A = vector.broadcast %get3A_11 : vector<1x64xf32> to vector<8192x64xf32>
    %add3A_12 = arith.addf %dot_general3A_8, %add3A : vector<8192x64xf32>
    %integer_pow3A = arith.mulf %add3A_12, %add3A_12 : vector<8192x64xf32>
    %integer_pow3A_13 = arith.mulf %add3A_12, %integer_pow3A : vector<8192x64xf32>
    %mul3A = arith.constant 4.471500e-02 : f32
    %mul3A_14 = vector.broadcast %mul3A : f32 to vector<8192x64xf32>
    %mul3A_15 = arith.mulf %mul3A_14, %integer_pow3A_13 : vector<8192x64xf32>
    %add3A_16 = arith.addf %add3A_12, %mul3A_15 : vector<8192x64xf32>
    %mul3A_17 = arith.constant 0.797884583 : f32
    %mul3A_18 = vector.broadcast %mul3A_17 : f32 to vector<8192x64xf32>
    %mul3A_19 = arith.mulf %mul3A_18, %add3A_16 : vector<8192x64xf32>
    %tanh3A = math.tanh %mul3A_19 : vector<8192x64xf32>
    %add3A_20 = arith.constant 1.000000e+00 : f32
    %add3A_21 = vector.broadcast %add3A_20 : f32 to vector<8192x64xf32>
    %add3A_22 = arith.addf %add3A_21, %tanh3A : vector<8192x64xf32>
    %mul3A_23 = arith.constant 5.000000e-01 : f32
    %mul3A_24 = vector.broadcast %mul3A_23 : f32 to vector<8192x64xf32>
    %mul3A_25 = arith.mulf %mul3A_24, %add3A_22 : vector<8192x64xf32>
    %mul3A_26 = arith.mulf %add3A_12, %mul3A_25 : vector<8192x64xf32>
    %get3A_27 = arith.constant 0 : index
    %get3A_28 = arith.constant 0 : index
    %get3A_29 = vector.load %arg2[%get3A_27, %get3A_28] : memref<8192x1xf32, #tpu.memory_space<vmem>>, vector<8192x1xf32>
    %mul3A_30 = vector.broadcast %get3A_29 : vector<8192x1xf32> to vector<8192x64xf32>
    %mul3A_31 = arith.mulf %mul3A_26, %mul3A_30 : vector<8192x64xf32>
    %swap3A = arith.constant 0 : index
    %swap3A_32 = arith.constant 0 : index
    %swap3A_33 = vector.load %arg5[%swap3A, %swap3A_32] : memref<8192x64xf32, #tpu.memory_space<vmem>>, vector<8192x64xf32>
    tpu.vector_store %arg5[%swap3A, %swap3A_32], %mul3A_31 {strides = array<i32>} : memref<8192x64xf32, #tpu.memory_space<vmem>>, vector<8192x64xf32>,
    return
  }
}

</mosaic_0001>

<sc_bundles>
// kernel: kernel.6.cloned.1.call-start
scs
__scs_entry_jumppad:
0x0: {  	(pc) =	sbr.rel $0x88, $3  }
0x1: {  	(tag) =	ssettag $0x0;
	lr =	simm.s32 $0x1  }
0x2: {  	[smem:$0x3F85] =	sst lr;
	_ =	strace $0xD0000000  }
0x3: {  	_ = 	snop  }
0x4: {  	_ = 	snop  }
0x5: {  	_ = 	snop  }
0x6: {  	_ = 	snop  }
0x7: {  	_ = 	snop  }
__scs_overlays_trampoline_lowered:
0x8: {  	[smem:$0x3F94] =	sst s0  }
0x9: {  	[smem:$0x3F95] =	sst s1  }
0xa: {  	[smem:$0x3F96] =	sst s2  }
0xb: {  	[smem:$0x3F97] =	sst s3  }
0xc: {  	[smem:$0x3F98] =	sst s4  }
0xd: {  	[smem:$0x3F99] =	sst s5  }
0xe: {  	[smem:$0x3F9A] =	sst s6  }
0xf: {  	[smem:$0x3F9B] =	sst s7  }
0x10: {  	[smem:$0x3F9C] =	sst s8  }
0x11: {  	[smem:$0x3F9D] =	sst s9;
	s0 =	simm.s32 @!p0 $0x0  }
0x12: {  	s1 =	sld [smem:$0x3F83];
	s0 =	simm.s32 @p0 $0x1  }
0x13: {  	[smem:$0x3F9E] =	sst s0;
	s0 =	simm.s32 @!p1 $0x0  }
0x14: {  	s2 =	sld [smem:$0x3F82];
	s0 =	simm.s32 @p1 $0x1  }
0x15: {  	[smem:$0x3F9F] =	sst s0;
	s0 =	simm.s32 @!p2 $0x0  }
0x16: {  	s3 =	sld [smem:$0x3FDB];
	s0 =	simm.s32 @p2 $0x1  }
0x17: {  	s4 =	simm.s32 $0x1BF5;
	[smem:$0x3FA1] =	sst s0  }
0x18: {  	s0 =	sld [smem:$0x3F84];
	_ =	swait.ge [sflag:s4], $0x0  }
0x19: {  	s7 =	sld [smem:$0x3F85]  }
0x1a: {  	s8 =	sadd.s32 $0xFFFFE003, lr  }
0x1b: {  	s9 =	sadd.s32 $0xFFFFFEF7, lr;
	s5 =	simm.s32 $0xFFFFFFFF;
	p2 =	slt.u32 s8, $0xFFFFF086  }
0x1c: {  	p1 =	slt.u32 s9, $0xF7A;
	s5 =	simm.s32 @!p2 $0x0  }
0x1d: {  	s5 =	simm.s32 @p1 $0x1;
	p0 =	seq.s32 s7, s2  }
0x1e: {  	s7 =	smul.u32 @!p0 $0xF7A, s2;
	p2 =	seq.s32 @!p0 s5, $0x0  }
0x1f: {  	s9 =	smul.u32 $0xF7A, s1;
	s8 =	simm.s32 @!p0 $0x1BF5;
	p2 =	por !p2, p0  }
0x20: {  	[sflag:s8] =	ssyncset.s32 @!p0 $0xFFFFF086;
	s6 =	sadd.s32 @!p0 s3, s7;
	s7 =	simm.s32 @!p0 $0x108  }
0x21: {  	s3 =	sadd.s32 s3, s9;
	s6 =	sadd.s32 @!p0 $0x88, s6;
	s7 =	simm.s32 @p2 $0x1082  }
0x22: {  	[simem:s7], [sflag:s8] =	dma.local @!p0 [hbm:s6], $0xF7A  }
0x23: {  	s9 =	sor.u32 $0xD0000000, s2;
	s6 =	simm.s32 $0x108;
	_ =	swait.ge @!p0 [sflag:s8], $0x0  }
0x24: {  	s3 =	sadd.s32 $0x88, s3;
	s6 =	simm.s32 @!p1 $0x1082;
	[sflag:s4] =	ssyncset.s32 $0xFFFFF086  }
0x25: {  	[simem:s6], [sflag:s4] =	dma.local [hbm:s3], $0xF7A  }
0x26: {  	[smem:$0x3F85] =	sst s1;
	(tag) =	ssettag s2;
	_ =	strace s9  }
0x27: {  	s1 =	sld [smem:$0x3F95]  }
0x28: {  	s2 =	sld [smem:$0x3F96]  }
0x29: {  	s4 =	sld [smem:$0x3F98]  }
0x2a: {  	p0 =	seq.s32 s5, $0x0;
	s5 =	sld [smem:$0x3F99]  }
0x2b: {  	s6 =	sld [smem:$0x3F9A]  }
0x2c: {  	s7 =	sld [smem:$0x3F9B]  }
0x2d: {  	s3 =	simm.s32 $0x108;
	s8 =	sld [smem:$0x3F9C]  }
0x2e: {  	s3 =	simm.s32 @!p0 $0x1082;
	s9 =	sld [smem:$0x3F9D]  }
0x2f: {  	lr =	sadd.s32 s0, s3;
	s0 =	sld [smem:$0x3F94]  }
0x30: {  	s3 =	sld [smem:$0x3F97]  }
0x31: {  	[smem:$0x3FA0] =	sst s10  }
0x32: {  	s10 =	sld [smem:$0x3F9E];
	_ =	sdelay $0x3  }
0x33: {  	p0 =	seq.s32 s10, $0x1;
	s10 =	sld [smem:$0x3FA0];
	_ =	sdelay $0x3  }
0x34: {  	[smem:$0x3FA0] =	sst s10  }
0x35: {  	s10 =	sld [smem:$0x3F9F];
	_ =	sdelay $0x3  }
0x36: {  	p1 =	seq.s32 s10, $0x1;
	s10 =	sld [smem:$0x3FA0];
	_ =	sdelay $0x3  }
0x37: {  	[smem:$0x3FA0] =	sst s10  }
0x38: {  	s10 =	sld [smem:$0x3FA1]  }
0x39: {  	_ = 	snop;
	(pc) =	sbr.ind lr, $3  }
0x3a: {  	_ = 	snop  }
0x3b: {  	_ = 	snop  }
0x3c: {  	p2 =	seq.s32 s10, $0x1;
	s10 =	sld [smem:$0x3FA0]  }
0x3d: {  	_ =	shalt  }
0x3e: {  	_ =	shalt  }
0x3f: {  	_ =	shalt  }
0x40: {  	_ =	shalt  }
0x41: {  	_ =	shalt  }
0x42: {  	_ =	shalt  }
0x43: {  	_ =	shalt  }
0x44: {  	_ =	shalt  }
0x45: {  	_ =	shalt  }
0x46: {  	_ =	shalt  }
0x47: {  	_ =	shalt  }
0x48: {  	_ =	shalt  }
0x49: {  	_ =	shalt  }
0x4a: {  	_ =	shalt  }
0x4b: {  	_ =	shalt  }
0x4c: {  	_ =	shalt  }
0x4d: {  	_ =	shalt  }
0x4e: {  	_ =	shalt  }
0x4f: {  	_ =	shalt  }
0x50: {  	_ =	shalt  }
0x51: {  	_ =	shalt  }
0x52: {  	_ =	shalt  }
0x53: {  	_ =	shalt  }
0x54: {  	_ =	shalt  }
0x55: {  	_ =	shalt  }
0x56: {  	_ =	shalt  }
0x57: {  	_ =	shalt  }
0x58: {  	_ =	shalt  }
0x59: {  	_ =	shalt  }
0x5a: {  	_ =	shalt  }
0x5b: {  	_ =	shalt  }
0x5c: {  	_ =	shalt  }
0x5d: {  	_ =	shalt  }
0x5e: {  	_ =	shalt  }
0x5f: {  	_ =	shalt  }
0x60: {  	_ =	shalt  }
0x61: {  	_ =	shalt  }
0x62: {  	_ =	shalt  }
0x63: {  	_ =	shalt  }
0x64: {  	_ =	shalt  }
0x65: {  	_ =	shalt  }
0x66: {  	_ =	shalt  }
0x67: {  	_ =	shalt  }
0x68: {  	_ =	shalt  }
0x69: {  	_ =	shalt  }
0x6a: {  	_ =	shalt  }
0x6b: {  	_ =	shalt  }
0x6c: {  	_ =	shalt  }
0x6d: {  	_ =	shalt  }
0x6e: {  	_ =	shalt  }
0x6f: {  	_ =	shalt  }
0x70: {  	_ =	shalt  }
0x71: {  	_ =	shalt  }
0x72: {  	_ =	shalt  }
0x73: {  	_ =	shalt  }
0x74: {  	_ =	shalt  }
0x75: {  	_ =	shalt  }
0x76: {  	_ =	shalt  }
0x77: {  	_ =	shalt  }
0x78: {  	_ =	shalt  }
0x79: {  	_ =	shalt  }
0x7a: {  	_ =	shalt  }
0x7b: {  	_ =	shalt  }
0x7c: {  	_ =	shalt  }
0x7d: {  	_ =	shalt  }
0x7e: {  	_ =	shalt  }
0x7f: {  	_ =	shalt  }
0x80: {  	_ =	shalt  }
0x81: {  	_ =	shalt  }
0x82: {  	_ =	shalt  }
0x83: {  	_ =	shalt  }
0x84: {  	_ =	shalt  }
0x85: {  	_ =	shalt  }
0x86: {  	_ =	shalt  }
0x87: {  	_ =	shalt  }
.Lfunc_end0:
.L_simem_size_0:
called_computation_lowered:
.L_overlay_start_0:
0x88: {  	s2 =	sld [smem:$0x3FD9]  }
0x89: {  	s3 =	sld [smem:$0x3FFE];
	_ =	sdelay $0x1  }
0x8a: {  	s1 =	srdreg.scid  }
0x8b: {  	s0 =	sand.u32 $0x1, s1  }
0x8c: {  	s14 =	sshll.u32 s0, $0xA;
	s2 =	sadd.s32 s3, s2  }
0x8d: {  	s2 =	sadd.s32 s2, s14  }
0x8e: {  	[smem:$0x3FAC] =	sst s2  }
0x8f: {  	_ = 	snop  }
0x90: {  	s2 =	sld [smem:$0x3FD0];
	_ =	sdelay $0x2  }
0x91: {  	s15 =	simm.s32 $0xA;
	s4 =	simm.s32 $0x10  }
0x92: {  	[smem:s4], [sflag:s15] =	dma.local [hbm:s2], $0x1  }
0x93: {  	_ =	swait.eq [sflag:s15], $0x1  }
0x94: {  	[sflag:s15] =	ssyncset.done $0x0  }
0x95: {  	[sflag:s15] =	ssyncadd.s32 $0xFFFFFFFF  }
0x96: {  	s16 =	sld [smem:$0x10];
	(tm) =	ssettm $0x1  }
0x97: {  	s17 =	sld [smem:$0x3FFB];
	_ =	sdelay $0x3  }
0x98: {  	_ =	strace s17  }
0x99: {  	s3 =	sld [smem:$0x3FFC];
	_ =	sdelay $0x3  }
0x9a: {  	_ =	strace s3  }
0x9b: {  	s3 =	sld [smem:$0x3FFD];
	_ =	sdelay $0x3  }
0x9c: {  	_ =	strace s3  }
0x9d: {  	_ =	strace $0x8FFFFFFF  }
0x9e: {  	s18 =	sld [smem:$0x3FDB];
	_ =	sdelay $0x1  }
0x9f: {  	s19 =	simm.s32 $_scs_section_size  }
0xa0: {  	s5 =	simm.s32 $_size__tile_overlayer_lowered;
	s6 =	simm.s32 $_tile_overlayer_lowered  }
0xa1: {  	s22 =	simm.s32 $0x1BFF;
	s21 =	sshll.u32 s6, $0x1;
	s3 =	sadd.s32 s19, s18  }
0xa2: {  	s7 =	simm.s32 $0x0;
	s20 =	sshll.u32 s5, $0x1;
	s5 =	sadd.s32 s21, s3  }
0xa3: {  	[timem:s7], [sflag:s22] =	dma.local [hbm:s5], s20  }
0xa4: {  	_ =	swait.ge [sflag:s22], s20  }
0xa5: {  	s4 =	ssub.s32 $0x0, s20;
	[sflag:s22] =	ssyncset.done $0x0  }
0xa6: {  	[sflag:s22] =	ssyncadd.s32 s4;
	_ =	sdelay $0x1  }
0xa7: {  	s23 =	simm.s32 $0x1B8B  }
0xa8: {  	_ =	swait.ge [sflag:s23], $0x1  }
0xa9: {  	[sflag:s23] =	ssyncset.done $0x0  }
0xaa: {  	s25 =	simm.s32 $0x1B8E;
	s24 =	sld [smem:$0x3FFE];
	[sflag:s23] =	ssyncadd.s32 $0xFFFFFFFF  }
0xab: {  	s26 =	simm.s32 $execute0_lowered;
	[smem:$0x3FD2] =	sst s25  }
0xac: {  	s5 =	sshll.u32 s26, $0x1;
	_ =	strace $0x80000046;
	[dreg:$0x1] =	wrdreg $0xFFFFFFFF  }
0xad: {  	s28 =	simm.s32 $_size_execute0_lowered;
	s3 =	sadd.s32 s3, s5;
	[dreg:$0x0] =	wrdreg $0x0  }
0xae: {  	s5 =	sshll.u32 s28, $0x1;
	[dreg:$0x2] =	wrdreg s3  }
0xaf: {  	[dreg:$0x3] =	wrdreg s5  }
0xb0: {  	[dreg:$0x4] =	wrdreg $0xC0  }
0xb1: {  	_ =	task [dreg:s7], $0x5FFFF  }
0xb2: {  	[dreg:$0x1] =	wrdreg $0xFFFFFFFF  }
0xb3: {  	[dreg:$0x0] =	wrdreg $0x60  }
0xb4: {  	[dreg:$0x2] =	wrdreg s16  }
0xb5: {  	[dreg:$0x3] =	wrdreg s24  }
0xb6: {  	[dreg:$0x4] =	wrdreg $0x9  }
0xb7: {  	_ =	task.clear_ibuf [dreg:s7], $0x5FFFF;
	_ =	strace $0x90000046  }
0xb8: {  	s29 =	simm.s32 $0x9;
	_ =	strace $0x80000048  }
0xb9: {  	_ =	swait.ge [sflag:s29], $0x1  }
0xba: {  	[sflag:s29] =	ssyncadd.s32 $0xFFFFFFFF  }
0xbb: {  	_ =	strace $0x90000048  }
0xbc: {  	_ =	sfence  }
0xbd: {  	s30 =	sld [smem:$0x0];
	_ =	sdelay $0x2  }
0xbe: {  	s31 =	sshll.u32 s1, $0xD;
	s1 =	sshrl.u32 s1, $0x2  }
0xbf: {  	s3 =	sand.u32 $0x4000, s31;
	s1 =	sadd.s32 s1, s30  }
0xc0: {  	s0 =	sor.u32 s3, s0;
	s1 =	sshll.u32 s1, $0x11  }
0xc1: {  	s0 =	sor.u32 s1, s0  }
0xc2: {  	s0 =	sadd.s32 $0x8F2B, s0  }
0xc3: {  	[sflag:s0] =	ssyncadd.remote.s32 $0x1  }
0xc4: {  	_ =	sfence.sel $0xFFFF  }
0xc5: {  	[dreg:$0x0] =	wrdreg $0xFFFFFFFF;
	(pc) =	sbr.abs _section_cstart, $3  }
0xc6: {  	[dreg:$0x1] =	wrdreg $0xFFFFFFFF  }
0xc7: {  	_ =	task.clear_ibuf [dreg:s7], $0x2FFFF;
	_ =	strace $0x9FFFFFFF  }
0xc8: {  	(tm) =	ssettm $0x7FFFFFFF  }
0xc9: {  	_ =	shalt  }
tec
execute0_lowered:
.L_overlay_start_1:
0x0: {  	(tag) =	ssettag $0x1  }
0x1: {  	s1 =	srdreg.scid  }
0x2: {  	s0 =	stileid.u32;
	s6 =	sand.u32 $0x1, s1  }
0x3: {  	s2 =	rddreg [dreg:$0x0];
	s30 =	sshll.u32 s0, $0x9;
	s3 =	sshll.u32 s6, $0x8  }
0x4: {  	s8 =	rddreg [dreg:$0x1];
	s7 =	simm.s32 $0x1;
	s9 =	sor.u32 s3, s30  }
0x5: {  	s1 =	rddreg [dreg:$0x2];
	s3 =	simm.s32 $0x0;
	s4 =	sshrl.u32 s9, $0x3  }
0x6: {  	s10 =	ssub.s32 $0x2, s6;
	[smem:$0x7FF] =	sst s3;
	s4 =	sadd.s32 s4, s8  }
0x7: {  	_ =	strace $0x80000047;
	s5 =	sadd.s32 $0x4000, s4;
	s4 =	simm.s32 $0x2  }
0x8: {  	[tilespmem:s3], [sflag:$0x2] =	stream.linear.gather [hbm4b:s5+s3], $0x100, $0x38;
	[tilespmem:$0x8100] =	vst v63  }
0x9: {  	s6 =	simm.s32 $0x100;
	s11 =	sshrl.u32 s10, $0x1;
	_ =	swait.ge [sflag:s4], $0x100  }
0xa: {  	s9 =	sshll.u32 s9, $0x4;
	s31 =	ssub.s32 s10, s11;
	[sflag:s4] =	ssyncset.done $0x0  }
0xb: {  	s8 =	sadd.s32 s9, s8;
	s9 =	smax.u32 s31, $0x1;
	[sflag:s4] =	ssyncadd.s32 $0xFFFFFF00  }
0xc: {  	[tilespmem:s6], [sflag:$0x1] =	stream.indirect.gather [hbm4b:s2+s6], $0x80, s3, s6, $0xb8;
	[tilespmem:$0x8100] =	vst v63  }
0xd: {  	p0 =	sne.s32 s9, $0x1;
	_ =	swait.ge [sflag:s7], $0x8000  }
.Ltmp0:
0xe: {  	[sflag:s7] =	ssyncset.done $0x0;
	(pc) =	sbr.rel @!p0 .LBB2_2-.Ltmp0, $4  }
0xf: {  	s8 =	sadd.s32 $0x4400, s8;
	[sflag:s7] =	ssyncadd.s32 $0xFFFF8000  }
0x10: {  	[hbm4b:s8+s3] =	stream.linear.scatter [tilespmem:s6], [sflag:$0x2], $0x8000, $0x38;
	[tilespmem:$0x8100] =	vst v63  }
0x11: {  	_ =	swait.ge [sflag:s4], $0x8000  }
0x12: {  	s9 =	sadd.s32 $0xFFFFFFFF, s9;
	[sflag:s4] =	ssyncset.done $0x0  }
.LBB2_1:
0x13: {  	p0 =	sne.s32 s9, $0x1;
	s9 =	sadd.s32 $0xFFFFFFFF, s9;
	[sflag:s4] =	ssyncadd.s32 $0xFFFF8000  }
0x14: {  	[tilespmem:s3], [sflag:$0x2] =	stream.linear.gather [hbm4b:s5+s3], $0x100, $0x38;
	[tilespmem:$0x8100] =	vst v63  }
0x15: {  	_ =	swait.ge [sflag:s4], $0x100  }
0x16: {  	[sflag:s4] =	ssyncset.done $0x0  }
0x17: {  	[sflag:s4] =	ssyncadd.s32 $0xFFFFFF00  }
0x18: {  	[tilespmem:s6], [sflag:$0x1] =	stream.indirect.gather [hbm4b:s2+s6], $0x80, s3, s6, $0xb8;
	[tilespmem:$0x8100] =	vst v63  }
0x19: {  	_ =	swait.ge [sflag:s7], $0x8000  }
.Ltmp1:
0x1a: {  	[sflag:s7] =	ssyncset.done $0x0;
	(pc) =	sbr.rel @p0 .LBB2_1-.Ltmp1, $4  }
0x1b: {  	[sflag:s7] =	ssyncadd.s32 $0xFFFF8000  }
0x1c: {  	[hbm4b:s8+s3] =	stream.linear.scatter [tilespmem:s6], [sflag:$0x2], $0x8000, $0x38;
	[tilespmem:$0x8100] =	vst v63  }
0x1d: {  	_ =	swait.ge [sflag:s4], $0x8000  }
0x1e: {  	[sflag:s4] =	ssyncset.done $0x0  }
.LBB2_2:
0x1f: {  	[sflag:s4] =	ssyncadd.s32 $0xFFFF8000  }
0x20: {  	_ =	sfence.sel $0x180000  }
0x21: {  	[bflag:$0x0] =	sbarrier.arrive $0xFFFF  }
0x22: {  	p0 =	sne.s32 s0, $0x0;
	_ =	strace $0x90000047  }
0x23: {  	s0 =	sadd.s32 @!p0 $0x100000, s1;
	[bflag:$0x2] =	sbarrier.arrive $0xFFFF  }
0x24: {  	[sflag:s0] =	ssyncadd.tile.s32 @!p0 $0x1;
	_ =	shalt  }
.Lfunc_end2:
_tile_overlayer_lowered:
.L_overlay_start_2:
0x25: {  	(tag) =	ssettag $0x2  }
0x26: {  	s0 =	rddreg [dreg:$0x0];
	s2 =	stileid.u32  }
0x27: {  	s1 =	rddreg [dreg:$0x1];
	p0 =	sne.s32 s2, $0x0  }
0x28: {  	s3 =	rddreg [dreg:$0x2];
	[bflag:$0x3] =	sbarrier.arrive $0xFFFF;
	s2 =	simm.s32 @!p0 $0x1C02  }
0x29: {  	[timem:s3], [sflag:s2] =	dma.local @!p0 [hbm:s0], s1  }
0x2a: {  	s0 =	simm.s32 @!p0 $0x2  }
0x2b: {  	_ =	swait.ge @!p0 [sflag:s0], s1  }
0x2c: {  	s1 =	ssub.s32 @!p0 $0x0, s1;
	[sflag:s0] =	ssyncset.done @!p0 $0x0  }
0x2d: {  	[sflag:s0] =	ssyncadd.s32 @!p0 s1  }
0x2e: {  	[bflag:$0x3] =	sbarrier.arrive $0xFFFF  }
0x2f: {  	_ =	shalt  }

</sc_bundles>
